<compile_context>
chip_gen: v7x
topology: tpu7x:2x2x1
jax: 0.10.2.dev20260603
libtpu: 0.0.44.dev20260713+nightly
codegen_flags: <defaults>
</compile_context>

<pallas_src>
import functools

import jax
import jax.numpy as jnp
from jax import lax
from jax.experimental import pallas as pl
from jax.experimental.pallas import tpu as pltpu
from jax.experimental.pallas import tpu_sc as plsc

_N = 10000
_E = 320000
_D = 128
_NC = 2
_NS = 16
_NW = _NC * _NS
_EPW = _E // _NW
_C = 80
_K = _EPW // _C
_RPT = 624
_TAIL = _N - _NS * _RPT

_PREC = lax.Precision.HIGHEST



def _sc_agg_body(table, src, dst3, zrow, zcnt, ones,
                 out_acc, out_cnt0, out_cnt1, src_a, dst_a, rows0, rows1,
                 ones_v, acc_sh, cnt_sh, sem0, sem1, sem_c, sem_i):
    c = lax.axis_index("c")
    s = lax.axis_index("s")
    w = c * _NS + s
    pltpu.async_copy(src.at[pl.ds(w * _EPW, _EPW)], src_a, sem_i)
    pltpu.async_copy(dst3.at[w], dst_a, sem_i)
    pltpu.async_copy(zrow.at[pl.ds(0, _RPT)],
                     acc_sh.at[pl.ds(s * _RPT, _RPT)], sem_i)
    pltpu.async_copy(ones, ones_v, sem_i)

    @pl.when(s == _NS - 1)
    def _():
        pltpu.async_copy(zrow.at[pl.ds(0, _TAIL)],
                        acc_sh.at[pl.ds(_NS * _RPT, _TAIL)], sem_i)

    @pl.when(s == 0)
    def _():
        pltpu.async_copy(zcnt, cnt_sh, sem_i)

    def sidx(k):
        return src_a.at[pl.ds(k * _C, _C)]

    pltpu.make_async_copy(src.at[pl.ds(w * _EPW, _EPW)], src_a, sem_i).wait()
    pltpu.async_copy(table.at[sidx(0)], rows0, sem0)
    pltpu.make_async_copy(dst3.at[w], dst_a, sem_i).wait()
    pltpu.make_async_copy(zrow.at[pl.ds(0, _RPT)],
                          acc_sh.at[pl.ds(s * _RPT, _RPT)], sem_i).wait()
    pltpu.make_async_copy(ones, ones_v, sem_i).wait()

    @pl.when(s == _NS - 1)
    def _():
        pltpu.make_async_copy(zrow.at[pl.ds(0, _TAIL)],
                              acc_sh.at[pl.ds(_NS * _RPT, _TAIL)], sem_i).wait()

    @pl.when(s == 0)
    def _():
        pltpu.make_async_copy(zcnt, cnt_sh, sem_i).wait()

    plsc.subcore_barrier()


    def cnt_wait(k):
        pltpu.make_async_copy(ones_v, cnt_sh.at[dst_a.at[k]], sem_c).wait()

    def pair(j, carry):
        k0 = 2 * j
        k1 = k0 + 1
        pltpu.async_copy(table.at[sidx(k1)], rows1, sem1)
        pltpu.make_async_copy(table.at[sidx(k0)], rows0, sem0).wait()
        pltpu.sync_copy(rows0, acc_sh.at[dst_a.at[k0]], add=True)
        pltpu.async_copy(ones_v, cnt_sh.at[dst_a.at[k0]], sem_c, add=True)
        pltpu.async_copy(table.at[sidx(k0 + 2)], rows0, sem0)
        pltpu.make_async_copy(table.at[sidx(k1)], rows1, sem1).wait()
        pltpu.sync_copy(rows1, acc_sh.at[dst_a.at[k1]], add=True)
        pltpu.async_copy(ones_v, cnt_sh.at[dst_a.at[k1]], sem_c, add=True)

        @pl.when(j > 0)
        def _():
            cnt_wait(k0 - 2)
            cnt_wait(k0 - 1)

        return carry

    lax.fori_loop(0, _K // 2, pair, 0)
    pltpu.make_async_copy(table.at[sidx(_K - 1)], rows0, sem0).wait()
    pltpu.sync_copy(rows0, acc_sh.at[dst_a.at[_K - 1]], add=True)
    pltpu.async_copy(ones_v, cnt_sh.at[dst_a.at[_K - 1]], sem_c, add=True)
    cnt_wait(_K - 3)
    cnt_wait(_K - 2)
    cnt_wait(_K - 1)
    plsc.subcore_barrier()
    pltpu.sync_copy(acc_sh.at[pl.ds(s * _RPT, _RPT)],
                    out_acc.at[c, pl.ds(s * _RPT, _RPT)])

    @pl.when(s == _NS - 1)
    def _():
        pltpu.sync_copy(acc_sh.at[pl.ds(_NS * _RPT, _TAIL)],
                        out_acc.at[c, pl.ds(_NS * _RPT, _TAIL)])

    @pl.when(jnp.logical_and(s == 0, c == 0))
    def _():
        pltpu.sync_copy(cnt_sh, out_cnt0)

    @pl.when(jnp.logical_and(s == 0, c == 1))
    def _():
        pltpu.sync_copy(cnt_sh, out_cnt1)


@functools.cache
def _make_sc_agg():
    return functools.partial(
        pl.kernel,
        out_type=(jax.ShapeDtypeStruct((_NC, _N, _D), jnp.float32),
                  jax.ShapeDtypeStruct((_N,), jnp.float32),
                  jax.ShapeDtypeStruct((_N,), jnp.float32)),
        mesh=plsc.VectorSubcoreMesh(core_axis_name="c", subcore_axis_name="s",
                                    num_cores=_NC, num_subcores=_NS),
        scratch_types=[
            pltpu.VMEM((_EPW,), jnp.int32),
            pltpu.VMEM((_K, _C), jnp.int32),
            pltpu.VMEM((_C, _D), jnp.float32),
            pltpu.VMEM((_C, _D), jnp.float32),
            pltpu.VMEM((_C,), jnp.float32),
            pltpu.VMEM_SHARED((_N, _D), jnp.float32),
            pltpu.VMEM_SHARED((_N,), jnp.float32),
            pltpu.SemaphoreType.DMA,
            pltpu.SemaphoreType.DMA,
            pltpu.SemaphoreType.DMA,
            pltpu.SemaphoreType.DMA,
        ],
    )(_sc_agg_body)


def _sc_agg(*args):
    return _make_sc_agg()(*args)



_R = 2000


def _mm1_body(x_ref, w_ref, out_ref):
    out_ref[...] = lax.dot_general(x_ref[...], w_ref[...],
                                   (((1,), (0,)), ((), ())),
                                   precision=_PREC,
                                   preferred_element_type=jnp.float32)


def _tc_mm(x, w_t):
    return pl.pallas_call(
        _mm1_body,
        grid=(_N // _R,),
        in_specs=[
            pl.BlockSpec((_R, _D), lambda i: (i, 0)),
            pl.BlockSpec((_D, _D), lambda i: (0, 0)),
        ],
        out_specs=pl.BlockSpec((_R, _D), lambda i: (i, 0)),
        out_shape=jax.ShapeDtypeStruct((_N, _D), jnp.float32),
    )(x, w_t)


def _mean_relu_mm_body(acc_ref, cnt0_ref, cnt1_ref, xr_ref, wl_ref,
                       h_ref, xl2_ref):
    a = acc_ref[0] + acc_ref[1]
    cn = cnt0_ref[...] + cnt1_ref[...]
    h = a / jnp.maximum(cn, 1.0) + xr_ref[...]
    h = jnp.maximum(h, 0.0)
    h_ref[...] = h
    xl2_ref[...] = lax.dot_general(h, wl_ref[...], (((1,), (0,)), ((), ())),
                                   precision=_PREC,
                                   preferred_element_type=jnp.float32)


def _tc_mean_relu_mm(acc, cnt0, cnt1, xr, wl_t):
    return pl.pallas_call(
        _mean_relu_mm_body,
        grid=(_N // _R,),
        in_specs=[
            pl.BlockSpec((_NC, _R, _D), lambda i: (0, i, 0)),
            pl.BlockSpec((_R, 1), lambda i: (i, 0)),
            pl.BlockSpec((_R, 1), lambda i: (i, 0)),
            pl.BlockSpec((_R, _D), lambda i: (i, 0)),
            pl.BlockSpec((_D, _D), lambda i: (0, 0)),
        ],
        out_specs=[
            pl.BlockSpec((_R, _D), lambda i: (i, 0)),
            pl.BlockSpec((_R, _D), lambda i: (i, 0)),
        ],
        out_shape=[jax.ShapeDtypeStruct((_N, _D), jnp.float32),
                   jax.ShapeDtypeStruct((_N, _D), jnp.float32)],
    )(acc, cnt0, cnt1, xr, wl_t)


def _mean_lsm_body(acc_ref, cnt0_ref, cnt1_ref, xr_ref, out_ref):
    a = acc_ref[0] + acc_ref[1]
    cn = cnt0_ref[...] + cnt1_ref[...]
    v = a / jnp.maximum(cn, 1.0) + xr_ref[...]
    m = jnp.max(v, axis=1, keepdims=True)
    z = v - m
    lse = jnp.log(jnp.sum(jnp.exp(z), axis=1, keepdims=True))
    out_ref[...] = z - lse


def _tc_mean_lsm(acc, cnt0, cnt1, xr):
    return pl.pallas_call(
        _mean_lsm_body,
        grid=(_N // _R,),
        in_specs=[
            pl.BlockSpec((_NC, _R, _D), lambda i: (0, i, 0)),
            pl.BlockSpec((_R, 1), lambda i: (i, 0)),
            pl.BlockSpec((_R, 1), lambda i: (i, 0)),
            pl.BlockSpec((_R, _D), lambda i: (i, 0)),
        ],
        out_specs=pl.BlockSpec((_R, _D), lambda i: (i, 0)),
        out_shape=jax.ShapeDtypeStruct((_N, _D), jnp.float32),
    )(acc, cnt0, cnt1, xr)



def kernel(x, edge_index1, edge_index2, W1_l, W1_r, W2_l, W2_r):
    src1 = edge_index1[0]
    dst1 = edge_index1[1].reshape(_NW, _K, _C)
    src2 = edge_index2[0]
    dst2 = edge_index2[1].reshape(_NW, _K, _C)
    zrow = jnp.zeros((_RPT, _D), jnp.float32)
    zcnt = jnp.zeros((_N,), jnp.float32)
    ones = jnp.ones((_C,), jnp.float32)

    xl1 = _tc_mm(x, W1_l.T)
    acc1, cnt1a, cnt1b = _sc_agg(xl1, src1, dst1, zrow, zcnt, ones)
    xr1 = _tc_mm(x, W1_r.T)
    h, xl2 = _tc_mean_relu_mm(acc1, cnt1a.reshape(_N, 1),
                              cnt1b.reshape(_N, 1), xr1, W2_l.T)
    acc2, cnt2a, cnt2b = _sc_agg(xl2, src2, dst2, zrow, zcnt, ones)
    xr2 = _tc_mm(h, W2_r.T)
    return _tc_mean_lsm(acc2, cnt2a.reshape(_N, 1), cnt2b.reshape(_N, 1), xr2)

# --- scband reference (transcript-rebuilt; emitter-appended) ---
"""Pipeline reference for scband-sage-11390253269761 (READ-ONLY COPY).

The authoritative reference and input builder live on the scoring server;
editing this copy changes nothing except your own understanding.
"""

import jax, jax.numpy as jnp
import numpy as np

N = 10000
E = 320000
D = 128
H = 128


def _xavier_relu(key, shape):
    # xavier_uniform with gain=calculate_gain('relu')=sqrt(2)
    fan_out, fan_in = shape
    gain = np.sqrt(2.0)
    a = gain * np.sqrt(6.0 / (fan_in + fan_out))
    return jax.random.uniform(key, shape, jnp.float32, -a, a)


def setup_inputs(seed: int = 0) -> dict:
    key = jax.random.key(seed)
    ks = jax.random.split(key, 8)
    x = jax.random.normal(ks[0], (N, D), dtype=jnp.float32)
    edge_index1 = jax.random.randint(ks[1], (2, E), 0, N, dtype=jnp.int32)
    edge_index2 = jax.random.randint(ks[2], (2, E), 0, N, dtype=jnp.int32)
    # SAGEConv bias=False: lin_l acts on aggregated neighbors, lin_r on target (root)
    W1_l = _xavier_relu(ks[3], (H, D))
    W1_r = _xavier_relu(ks[4], (H, D))
    W2_l = _xavier_relu(ks[5], (H, H))
    W2_r = _xavier_relu(ks[6], (H, H))
    return {"x": x, "edge_index1": edge_index1, "edge_index2": edge_index2,
            "W1_l": W1_l, "W1_r": W1_r, "W2_l": W2_l, "W2_r": W2_r}


def _sage_conv(x_src, edge_index, W_l, W_r, n_dst):
    src = edge_index[0]
    dst = edge_index[1]
    msg = jnp.take(x_src, src, axis=0)                      # gather (SparseCore)
    agg = jax.ops.segment_sum(msg, dst, num_segments=n_dst)  # scatter-add
    cnt = jax.ops.segment_sum(jnp.ones((edge_index.shape[1],), jnp.float32), dst, num_segments=n_dst)
    mean = agg / jnp.clip(cnt, 1.0, None)[:, None]
    x_target = x_src[:n_dst]
    return mean @ W_l.T + x_target @ W_r.T


def reference(x, edge_index1, edge_index2, W1_l, W1_r, W2_l, W2_r):
    # layer 1 (full-graph sampled block: size=(N, N))
    h = _sage_conv(x, edge_index1, W1_l, W1_r, N)
    h = jax.nn.relu(h)  # dropout p=0.5 is identity in eval mode
    # layer 2 (last layer: no relu/dropout)
    h = _sage_conv(h, edge_index2, W2_l, W2_r, N)
    return jax.nn.log_softmax(h, axis=-1)

if __name__ == "__main__":
    import jax
    _d = setup_inputs()
    print(jax.jit(kernel)(*tuple(_d.values())))

</pallas_src>

<mosaic_0001>
#map = affine_map<(d0, d1) -> (0, 0)>
#map1 = affine_map<(d0, d1) -> (0)>
#map2 = affine_map<(d0, d1) -> (0, 0, 0)>
module attributes {stable_mosaic.version = 14 : i64} {
  func.func @_sc_agg_body(%arg0: i32, %arg1: i32, %arg2: memref<10000x128xf32, #tpu.memory_space<hbm>>, %arg3: memref<320000xi32, #tpu.memory_space<hbm>>, %arg4: memref<32x125x80xi32, #tpu.memory_space<hbm>>, %arg5: memref<624x128xf32, #tpu.memory_space<hbm>>, %arg6: memref<10000xf32, #tpu.memory_space<hbm>>, %arg7: memref<80xf32, #tpu.memory_space<hbm>>, %arg8: memref<2x10000x128xf32, #tpu.memory_space<hbm>>, %arg9: memref<10000xf32, #tpu.memory_space<hbm>>, %arg10: memref<10000xf32, #tpu.memory_space<hbm>>, %arg11: memref<10000xi32, #tpu.memory_space<vmem>>, %arg12: memref<125x80xi32, #tpu.memory_space<vmem>>, %arg13: memref<80x128xf32, #tpu.memory_space<vmem>>, %arg14: memref<80x128xf32, #tpu.memory_space<vmem>>, %arg15: memref<80xf32, #tpu.memory_space<vmem>>, %arg16: memref<10000x128xf32, #tpu.memory_space<vmem_shared>>, %arg17: memref<10000xf32, #tpu.memory_space<vmem_shared>>, %arg18: memref<!tpu.dma_semaphore, #tpu.memory_space<semaphore_mem>>, %arg19: memref<!tpu.dma_semaphore, #tpu.memory_space<semaphore_mem>>, %arg20: memref<!tpu.dma_semaphore, #tpu.memory_space<semaphore_mem>>, %arg21: memref<!tpu.dma_semaphore, #tpu.memory_space<semaphore_mem>>) attributes {dimension_semantics = [#tpu.dimension_semantics<core_parallel>, #tpu.dimension_semantics<subcore_parallel>], iteration_bounds = array<i64: 2, 16>, scalar_prefetch = 0 : i64, scratch_operands = 11 : i64, tpu.core_type = #tpu.core_type<sc_vector_subcore>, window_params = [{transform_indices = #map}, {transform_indices = #map1}, {transform_indices = #map2}, {transform_indices = #map}, {transform_indices = #map1}, {transform_indices = #map1}, {transform_indices = #map2}, {transform_indices = #map1}, {transform_indices = #map1}]} {
    %mul3A = arith.constant 16 : i32
    %mul3A_0 = arith.muli %arg0, %mul3A : i32
    %add3A = arith.addi %mul3A_0, %arg1 : i32
    %mul3A_1 = arith.constant 10000 : i32
    %mul3A_2 = arith.muli %add3A, %mul3A_1 : i32
    %dma_start3A = tpu.memref_slice %arg3[%mul3A_2] : memref<320000xi32, #tpu.memory_space<hbm>> -> memref<10000xi32, #tpu.memory_space<hbm>>
    %dma_start3A_3 = tpu.memref_slice %arg3[%mul3A_2] : memref<320000xi32, #tpu.memory_space<hbm>> -> memref<10000xi32, #tpu.memory_space<hbm>>
    tpu.enqueue_dma source(%dma_start3A_3 : memref<10000xi32, #tpu.memory_space<hbm>>) target(%arg11 : memref<10000xi32, #tpu.memory_space<vmem>>) target_semaphore(%arg21 : memref<!tpu.dma_semaphore, #tpu.memory_space<semaphore_mem>>)
    %dma_start3A_4 = arith.constant 0 : i32
    %dma_start3A_5 = arith.constant 0 : i32
    %dma_start3A_6 = tpu.memref_slice %arg4[%add3A, %dma_start3A_4, %dma_start3A_5] : memref<32x125x80xi32, #tpu.memory_space<hbm>> -> memref<1x125x80xi32, #tpu.memory_space<hbm>>
    %dma_start3A_7 = tpu.memref_squeeze %dma_start3A_6 : memref<1x125x80xi32, #tpu.memory_space<hbm>> -> memref<125x80xi32, #tpu.memory_space<hbm>>
    %dma_start3A_8 = arith.constant 0 : i32
    %dma_start3A_9 = arith.constant 0 : i32
    %dma_start3A_10 = tpu.memref_slice %arg4[%add3A, %dma_start3A_8, %dma_start3A_9] : memref<32x125x80xi32, #tpu.memory_space<hbm>> -> memref<1x125x80xi32, #tpu.memory_space<hbm>>
    %dma_start3A_11 = tpu.memref_squeeze %dma_start3A_10 : memref<1x125x80xi32, #tpu.memory_space<hbm>> -> memref<125x80xi32, #tpu.memory_space<hbm>>
    tpu.enqueue_dma source(%dma_start3A_11 : memref<125x80xi32, #tpu.memory_space<hbm>>) target(%arg12 : memref<125x80xi32, #tpu.memory_space<vmem>>) target_semaphore(%arg21 : memref<!tpu.dma_semaphore, #tpu.memory_space<semaphore_mem>>)
    %mul3A_12 = arith.constant 624 : i32
    %mul3A_13 = arith.muli %arg1, %mul3A_12 : i32
    %dma_start3A_14 = arith.constant 0 : i32
    %dma_start3A_15 = tpu.memref_slice %arg16[%mul3A_13, %dma_start3A_14] : memref<10000x128xf32, #tpu.memory_space<vmem_shared>> -> memref<624x128xf32, #tpu.memory_space<vmem_shared>>
    %dma_start3A_16 = arith.constant 0 : i32
    %dma_start3A_17 = arith.constant 0 : i32
    %dma_start3A_18 = tpu.memref_slice %arg5[%dma_start3A_16, %dma_start3A_17] : memref<624x128xf32, #tpu.memory_space<hbm>> -> memref<624x128xf32, #tpu.memory_space<hbm>>
    tpu.enqueue_dma source(%dma_start3A_18 : memref<624x128xf32, #tpu.memory_space<hbm>>) target(%dma_start3A_15 : memref<624x128xf32, #tpu.memory_space<vmem_shared>>) target_semaphore(%arg21 : memref<!tpu.dma_semaphore, #tpu.memory_space<semaphore_mem>>)
    tpu.enqueue_dma source(%arg7 : memref<80xf32, #tpu.memory_space<hbm>>) target(%arg15 : memref<80xf32, #tpu.memory_space<vmem>>) target_semaphore(%arg21 : memref<!tpu.dma_semaphore, #tpu.memory_space<semaphore_mem>>)
    %eq3A = arith.constant 15 : i32
    %eq3A_19 = arith.cmpi eq, %arg1, %eq3A : i32
    %convert_element_type3A = arith.extui %eq3A_19 : i1 to i32
    %cond3A = arith.constant 0 : i32
    %cond3A_20 = arith.cmpi ne, %convert_element_type3A, %cond3A : i32
    scf.if %cond3A_20 {
      %dma_start3A_118 = arith.constant 9984 : i32
      %dma_start3A_119 = arith.constant 0 : i32
      %dma_start3A_120 = tpu.memref_slice %arg16[%dma_start3A_118, %dma_start3A_119] : memref<10000x128xf32, #tpu.memory_space<vmem_shared>> -> memref<16x128xf32, #tpu.memory_space<vmem_shared>>
      %dma_start3A_121 = arith.constant 0 : i32
      %dma_start3A_122 = arith.constant 0 : i32
      %dma_start3A_123 = tpu.memref_slice %arg5[%dma_start3A_121, %dma_start3A_122] : memref<624x128xf32, #tpu.memory_space<hbm>> -> memref<16x128xf32, #tpu.memory_space<hbm>>
      tpu.enqueue_dma source(%dma_start3A_123 : memref<16x128xf32, #tpu.memory_space<hbm>>) target(%dma_start3A_120 : memref<16x128xf32, #tpu.memory_space<vmem_shared>>) target_semaphore(%arg21 : memref<!tpu.dma_semaphore, #tpu.memory_space<semaphore_mem>>)
    } else {
    }
    %eq3A_21 = arith.constant 0 : i32
    %eq3A_22 = arith.cmpi eq, %arg1, %eq3A_21 : i32
    %convert_element_type3A_23 = arith.extui %eq3A_22 : i1 to i32
    %cond3A_24 = arith.constant 0 : i32
    %cond3A_25 = arith.cmpi ne, %convert_element_type3A_23, %cond3A_24 : i32
    scf.if %cond3A_25 {
      tpu.enqueue_dma source(%arg6 : memref<10000xf32, #tpu.memory_space<hbm>>) target(%arg17 : memref<10000xf32, #tpu.memory_space<vmem_shared>>) target_semaphore(%arg21 : memref<!tpu.dma_semaphore, #tpu.memory_space<semaphore_mem>>)
    } else {
    }
    %mul3A_26 = arith.constant 10000 : i32
    %mul3A_27 = arith.muli %add3A, %mul3A_26 : i32
    %dma_wait3A = tpu.memref_slice %arg3[%mul3A_27] : memref<320000xi32, #tpu.memory_space<hbm>> -> memref<10000xi32, #tpu.memory_space<hbm>>
    %dma_wait3A_28 = tpu.memref_slice %arg3[%mul3A_27] : memref<320000xi32, #tpu.memory_space<hbm>> -> memref<10000xi32, #tpu.memory_space<hbm>>
    tpu.wait_dma2 semaphore(%arg21 : memref<!tpu.dma_semaphore, #tpu.memory_space<semaphore_mem>>) src(%dma_wait3A_28 : memref<10000xi32, #tpu.memory_space<hbm>>) dst(%arg11 : memref<10000xi32, #tpu.memory_space<vmem>>)
    %dma_start3A_29 = arith.constant 0 : i32
    %dma_start3A_30 = tpu.memref_slice %arg11[%dma_start3A_29] : memref<10000xi32, #tpu.memory_space<vmem>> -> memref<80xi32, #tpu.memory_space<vmem>>
    %dma_start3A_31 = arith.constant 0 : i32
    %dma_start3A_32 = arith.constant 0 : i32
    %dma_start3A_33 = tpu.memref_slice %arg2[%dma_start3A_31, %dma_start3A_32] : memref<10000x128xf32, #tpu.memory_space<hbm>> -> memref<10000x128xf32, #tpu.memory_space<hbm>>
    tpu.enqueue_indirect_dma source(%dma_start3A_33 : memref<10000x128xf32, #tpu.memory_space<hbm>>) target(%arg13 : memref<80x128xf32, #tpu.memory_space<vmem>>) offsets(%dma_start3A_30 : memref<80xi32, #tpu.memory_space<vmem>>) semaphore(%arg18 : memref<!tpu.dma_semaphore, #tpu.memory_space<semaphore_mem>>)
    %dma_wait3A_34 = arith.constant 0 : i32
    %dma_wait3A_35 = arith.constant 0 : i32
    %dma_wait3A_36 = tpu.memref_slice %arg4[%add3A, %dma_wait3A_34, %dma_wait3A_35] : memref<32x125x80xi32, #tpu.memory_space<hbm>> -> memref<1x125x80xi32, #tpu.memory_space<hbm>>
    %dma_wait3A_37 = tpu.memref_squeeze %dma_wait3A_36 : memref<1x125x80xi32, #tpu.memory_space<hbm>> -> memref<125x80xi32, #tpu.memory_space<hbm>>
    %dma_wait3A_38 = arith.constant 0 : i32
    %dma_wait3A_39 = arith.constant 0 : i32
    %dma_wait3A_40 = tpu.memref_slice %arg4[%add3A, %dma_wait3A_38, %dma_wait3A_39] : memref<32x125x80xi32, #tpu.memory_space<hbm>> -> memref<1x125x80xi32, #tpu.memory_space<hbm>>
    %dma_wait3A_41 = tpu.memref_squeeze %dma_wait3A_40 : memref<1x125x80xi32, #tpu.memory_space<hbm>> -> memref<125x80xi32, #tpu.memory_space<hbm>>
    tpu.wait_dma2 semaphore(%arg21 : memref<!tpu.dma_semaphore, #tpu.memory_space<semaphore_mem>>) src(%dma_wait3A_41 : memref<125x80xi32, #tpu.memory_space<hbm>>) dst(%arg12 : memref<125x80xi32, #tpu.memory_space<vmem>>)
    %mul3A_42 = arith.constant 624 : i32
    %mul3A_43 = arith.muli %arg1, %mul3A_42 : i32
    %dma_wait3A_44 = arith.constant 0 : i32
    %dma_wait3A_45 = tpu.memref_slice %arg16[%mul3A_43, %dma_wait3A_44] : memref<10000x128xf32, #tpu.memory_space<vmem_shared>> -> memref<624x128xf32, #tpu.memory_space<vmem_shared>>
    %dma_wait3A_46 = arith.constant 0 : i32
    %dma_wait3A_47 = arith.constant 0 : i32
    %dma_wait3A_48 = tpu.memref_slice %arg5[%dma_wait3A_46, %dma_wait3A_47] : memref<624x128xf32, #tpu.memory_space<hbm>> -> memref<624x128xf32, #tpu.memory_space<hbm>>
    tpu.wait_dma2 semaphore(%arg21 : memref<!tpu.dma_semaphore, #tpu.memory_space<semaphore_mem>>) src(%dma_wait3A_48 : memref<624x128xf32, #tpu.memory_space<hbm>>) dst(%dma_wait3A_45 : memref<624x128xf32, #tpu.memory_space<vmem_shared>>)
    tpu.wait_dma2 semaphore(%arg21 : memref<!tpu.dma_semaphore, #tpu.memory_space<semaphore_mem>>) src(%arg7 : memref<80xf32, #tpu.memory_space<hbm>>) dst(%arg15 : memref<80xf32, #tpu.memory_space<vmem>>)
    %eq3A_49 = arith.constant 15 : i32
    %eq3A_50 = arith.cmpi eq, %arg1, %eq3A_49 : i32
    %convert_element_type3A_51 = arith.extui %eq3A_50 : i1 to i32
    %cond3A_52 = arith.constant 0 : i32
    %cond3A_53 = arith.cmpi ne, %convert_element_type3A_51, %cond3A_52 : i32
    scf.if %cond3A_53 {
      %dma_wait3A_118 = arith.constant 9984 : i32
      %dma_wait3A_119 = arith.constant 0 : i32
      %dma_wait3A_120 = tpu.memref_slice %arg16[%dma_wait3A_118, %dma_wait3A_119] : memref<10000x128xf32, #tpu.memory_space<vmem_shared>> -> memref<16x128xf32, #tpu.memory_space<vmem_shared>>
      %dma_wait3A_121 = arith.constant 0 : i32
      %dma_wait3A_122 = arith.constant 0 : i32
      %dma_wait3A_123 = tpu.memref_slice %arg5[%dma_wait3A_121, %dma_wait3A_122] : memref<624x128xf32, #tpu.memory_space<hbm>> -> memref<16x128xf32, #tpu.memory_space<hbm>>
      tpu.wait_dma2 semaphore(%arg21 : memref<!tpu.dma_semaphore, #tpu.memory_space<semaphore_mem>>) src(%dma_wait3A_123 : memref<16x128xf32, #tpu.memory_space<hbm>>) dst(%dma_wait3A_120 : memref<16x128xf32, #tpu.memory_space<vmem_shared>>)
    } else {
    }
    %eq3A_54 = arith.constant 0 : i32
    %eq3A_55 = arith.cmpi eq, %arg1, %eq3A_54 : i32
    %convert_element_type3A_56 = arith.extui %eq3A_55 : i1 to i32
    %cond3A_57 = arith.constant 0 : i32
    %cond3A_58 = arith.cmpi ne, %convert_element_type3A_56, %cond3A_57 : i32
    scf.if %cond3A_58 {
      tpu.wait_dma2 semaphore(%arg21 : memref<!tpu.dma_semaphore, #tpu.memory_space<semaphore_mem>>) src(%arg6 : memref<10000xf32, #tpu.memory_space<hbm>>) dst(%arg17 : memref<10000xf32, #tpu.memory_space<vmem_shared>>)
    } else {
    }
    %barrier3A = arith.constant 0 : index
    tpu.barrier barrier_id(%barrier3A)
    %scan3A = arith.constant 0 : i32
    %scan3A_59 = arith.constant 0 : i32
    %scan3A_60 = arith.constant 62 : i32
    %scan3A_61 = arith.addi %scan3A_59, %scan3A_60 : i32
    %scan3A_62 = arith.constant 1 : i32
    scf.for %scan3A_118 = %scan3A_59 to %scan3A_61 step %scan3A_62  : i32 {
      %mul3A_119 = arith.constant 2 : i32
      %mul3A_120 = arith.muli %mul3A_119, %scan3A_118 : i32
      %add3A_121 = arith.constant 1 : i32
      %add3A_122 = arith.addi %mul3A_120, %add3A_121 : i32
      %mul3A_123 = arith.constant 80 : i32
      %mul3A_124 = arith.muli %add3A_122, %mul3A_123 : i32
      %dma_start3A_125 = tpu.memref_slice %arg11[%mul3A_124] : memref<10000xi32, #tpu.memory_space<vmem>> -> memref<80xi32, #tpu.memory_space<vmem>>
      %dma_start3A_126 = arith.constant 0 : i32
      %dma_start3A_127 = arith.constant 0 : i32
      %dma_start3A_128 = tpu.memref_slice %arg2[%dma_start3A_126, %dma_start3A_127] : memref<10000x128xf32, #tpu.memory_space<hbm>> -> memref<10000x128xf32, #tpu.memory_space<hbm>>
      tpu.enqueue_indirect_dma source(%dma_start3A_128 : memref<10000x128xf32, #tpu.memory_space<hbm>>) target(%arg14 : memref<80x128xf32, #tpu.memory_space<vmem>>) offsets(%dma_start3A_125 : memref<80xi32, #tpu.memory_space<vmem>>) semaphore(%arg19 : memref<!tpu.dma_semaphore, #tpu.memory_space<semaphore_mem>>)
      %mul3A_129 = arith.constant 80 : i32
      %mul3A_130 = arith.muli %mul3A_120, %mul3A_129 : i32
      %dma_wait3A_131 = tpu.memref_slice %arg11[%mul3A_130] : memref<10000xi32, #tpu.memory_space<vmem>> -> memref<80xi32, #tpu.memory_space<vmem>>
      %dma_wait3A_132 = arith.constant 0 : i32
      %dma_wait3A_133 = arith.constant 0 : i32
      %dma_wait3A_134 = tpu.memref_slice %arg2[%dma_wait3A_132, %dma_wait3A_133] : memref<10000x128xf32, #tpu.memory_space<hbm>> -> memref<10000x128xf32, #tpu.memory_space<hbm>>
      tpu.wait_indirect_dma semaphore(%arg18 : memref<!tpu.dma_semaphore, #tpu.memory_space<semaphore_mem>>) src(%dma_wait3A_134 : memref<10000x128xf32, #tpu.memory_space<hbm>>) dst(%arg13 : memref<80x128xf32, #tpu.memory_space<vmem>>)
      "tpu.region"() ({
        %run_scoped3A_163 = tpu.sem_alloc : memref<!tpu.dma_semaphore, #tpu.memory_space<semaphore_mem>>
        %dma_start3A_164 = arith.constant 0 : i32
        %dma_start3A_165 = tpu.memref_slice %arg12[%mul3A_120, %dma_start3A_164] : memref<125x80xi32, #tpu.memory_space<vmem>> -> memref<1x80xi32, #tpu.memory_space<vmem>>
        %dma_start3A_166 = tpu.memref_squeeze %dma_start3A_165 : memref<1x80xi32, #tpu.memory_space<vmem>> -> memref<80xi32, #tpu.memory_space<vmem>>
        %dma_start3A_167 = arith.constant 0 : i32
        %dma_start3A_168 = arith.constant 0 : i32
        %dma_start3A_169 = tpu.memref_slice %arg16[%dma_start3A_167, %dma_start3A_168] : memref<10000x128xf32, #tpu.memory_space<vmem_shared>> -> memref<10000x128xf32, #tpu.memory_space<vmem_shared>>
        tpu.enqueue_indirect_dma source(%arg13 : memref<80x128xf32, #tpu.memory_space<vmem>>) target(%dma_start3A_169 : memref<10000x128xf32, #tpu.memory_space<vmem_shared>>) offsets(%dma_start3A_166 : memref<80xi32, #tpu.memory_space<vmem>>) semaphore(%run_scoped3A_163 : memref<!tpu.dma_semaphore, #tpu.memory_space<semaphore_mem>>) {add = true}
        %dma_wait3A_170 = arith.constant 0 : i32
        %dma_wait3A_171 = tpu.memref_slice %arg12[%mul3A_120, %dma_wait3A_170] : memref<125x80xi32, #tpu.memory_space<vmem>> -> memref<1x80xi32, #tpu.memory_space<vmem>>
        %dma_wait3A_172 = tpu.memref_squeeze %dma_wait3A_171 : memref<1x80xi32, #tpu.memory_space<vmem>> -> memref<80xi32, #tpu.memory_space<vmem>>
        %dma_wait3A_173 = arith.constant 0 : i32
        %dma_wait3A_174 = arith.constant 0 : i32
        %dma_wait3A_175 = tpu.memref_slice %arg16[%dma_wait3A_173, %dma_wait3A_174] : memref<10000x128xf32, #tpu.memory_space<vmem_shared>> -> memref<10000x128xf32, #tpu.memory_space<vmem_shared>>
        tpu.wait_indirect_dma semaphore(%run_scoped3A_163 : memref<!tpu.dma_semaphore, #tpu.memory_space<semaphore_mem>>) src(%arg13 : memref<80x128xf32, #tpu.memory_space<vmem>>) dst(%dma_wait3A_175 : memref<10000x128xf32, #tpu.memory_space<vmem_shared>>)
        tpu.yield
      }) : () -> ()
      %dma_start3A_135 = arith.constant 0 : i32
      %dma_start3A_136 = tpu.memref_slice %arg12[%mul3A_120, %dma_start3A_135] : memref<125x80xi32, #tpu.memory_space<vmem>> -> memref<1x80xi32, #tpu.memory_space<vmem>>
      %dma_start3A_137 = tpu.memref_squeeze %dma_start3A_136 : memref<1x80xi32, #tpu.memory_space<vmem>> -> memref<80xi32, #tpu.memory_space<vmem>>
      %dma_start3A_138 = arith.constant 0 : i32
      %dma_start3A_139 = tpu.memref_slice %arg17[%dma_start3A_138] : memref<10000xf32, #tpu.memory_space<vmem_shared>> -> memref<10000xf32, #tpu.memory_space<vmem_shared>>
      tpu.enqueue_indirect_dma source(%arg15 : memref<80xf32, #tpu.memory_space<vmem>>) target(%dma_start3A_139 : memref<10000xf32, #tpu.memory_space<vmem_shared>>) offsets(%dma_start3A_137 : memref<80xi32, #tpu.memory_space<vmem>>) semaphore(%arg20 : memref<!tpu.dma_semaphore, #tpu.memory_space<semaphore_mem>>) {add = true}
      %add3A_140 = arith.constant 2 : i32
      %add3A_141 = arith.addi %mul3A_120, %add3A_140 : i32
      %mul3A_142 = arith.constant 80 : i32
      %mul3A_143 = arith.muli %add3A_141, %mul3A_142 : i32
      %dma_start3A_144 = tpu.memref_slice %arg11[%mul3A_143] : memref<10000xi32, #tpu.memory_space<vmem>> -> memref<80xi32, #tpu.memory_space<vmem>>
      %dma_start3A_145 = arith.constant 0 : i32
      %dma_start3A_146 = arith.constant 0 : i32
      %dma_start3A_147 = tpu.memref_slice %arg2[%dma_start3A_145, %dma_start3A_146] : memref<10000x128xf32, #tpu.memory_space<hbm>> -> memref<10000x128xf32, #tpu.memory_space<hbm>>
      tpu.enqueue_indirect_dma source(%dma_start3A_147 : memref<10000x128xf32, #tpu.memory_space<hbm>>) target(%arg13 : memref<80x128xf32, #tpu.memory_space<vmem>>) offsets(%dma_start3A_144 : memref<80xi32, #tpu.memory_space<vmem>>) semaphore(%arg18 : memref<!tpu.dma_semaphore, #tpu.memory_space<semaphore_mem>>)
      %mul3A_148 = arith.constant 80 : i32
      %mul3A_149 = arith.muli %add3A_122, %mul3A_148 : i32
      %dma_wait3A_150 = tpu.memref_slice %arg11[%mul3A_149] : memref<10000xi32, #tpu.memory_space<vmem>> -> memref<80xi32, #tpu.memory_space<vmem>>
      %dma_wait3A_151 = arith.constant 0 : i32
      %dma_wait3A_152 = arith.constant 0 : i32
      %dma_wait3A_153 = tpu.memref_slice %arg2[%dma_wait3A_151, %dma_wait3A_152] : memref<10000x128xf32, #tpu.memory_space<hbm>> -> memref<10000x128xf32, #tpu.memory_space<hbm>>
      tpu.wait_indirect_dma semaphore(%arg19 : memref<!tpu.dma_semaphore, #tpu.memory_space<semaphore_mem>>) src(%dma_wait3A_153 : memref<10000x128xf32, #tpu.memory_space<hbm>>) dst(%arg14 : memref<80x128xf32, #tpu.memory_space<vmem>>)
      "tpu.region"() ({
        %run_scoped3A_163 = tpu.sem_alloc : memref<!tpu.dma_semaphore, #tpu.memory_space<semaphore_mem>>
        %dma_start3A_164 = arith.constant 0 : i32
        %dma_start3A_165 = tpu.memref_slice %arg12[%add3A_122, %dma_start3A_164] : memref<125x80xi32, #tpu.memory_space<vmem>> -> memref<1x80xi32, #tpu.memory_space<vmem>>
        %dma_start3A_166 = tpu.memref_squeeze %dma_start3A_165 : memref<1x80xi32, #tpu.memory_space<vmem>> -> memref<80xi32, #tpu.memory_space<vmem>>
        %dma_start3A_167 = arith.constant 0 : i32
        %dma_start3A_168 = arith.constant 0 : i32
        %dma_start3A_169 = tpu.memref_slice %arg16[%dma_start3A_167, %dma_start3A_168] : memref<10000x128xf32, #tpu.memory_space<vmem_shared>> -> memref<10000x128xf32, #tpu.memory_space<vmem_shared>>
        tpu.enqueue_indirect_dma source(%arg14 : memref<80x128xf32, #tpu.memory_space<vmem>>) target(%dma_start3A_169 : memref<10000x128xf32, #tpu.memory_space<vmem_shared>>) offsets(%dma_start3A_166 : memref<80xi32, #tpu.memory_space<vmem>>) semaphore(%run_scoped3A_163 : memref<!tpu.dma_semaphore, #tpu.memory_space<semaphore_mem>>) {add = true}
        %dma_wait3A_170 = arith.constant 0 : i32
        %dma_wait3A_171 = tpu.memref_slice %arg12[%add3A_122, %dma_wait3A_170] : memref<125x80xi32, #tpu.memory_space<vmem>> -> memref<1x80xi32, #tpu.memory_space<vmem>>
        %dma_wait3A_172 = tpu.memref_squeeze %dma_wait3A_171 : memref<1x80xi32, #tpu.memory_space<vmem>> -> memref<80xi32, #tpu.memory_space<vmem>>
        %dma_wait3A_173 = arith.constant 0 : i32
        %dma_wait3A_174 = arith.constant 0 : i32
        %dma_wait3A_175 = tpu.memref_slice %arg16[%dma_wait3A_173, %dma_wait3A_174] : memref<10000x128xf32, #tpu.memory_space<vmem_shared>> -> memref<10000x128xf32, #tpu.memory_space<vmem_shared>>
        tpu.wait_indirect_dma semaphore(%run_scoped3A_163 : memref<!tpu.dma_semaphore, #tpu.memory_space<semaphore_mem>>) src(%arg14 : memref<80x128xf32, #tpu.memory_space<vmem>>) dst(%dma_wait3A_175 : memref<10000x128xf32, #tpu.memory_space<vmem_shared>>)
        tpu.yield
      }) : () -> ()
      %dma_start3A_154 = arith.constant 0 : i32
      %dma_start3A_155 = tpu.memref_slice %arg12[%add3A_122, %dma_start3A_154] : memref<125x80xi32, #tpu.memory_space<vmem>> -> memref<1x80xi32, #tpu.memory_space<vmem>>
      %dma_start3A_156 = tpu.memref_squeeze %dma_start3A_155 : memref<1x80xi32, #tpu.memory_space<vmem>> -> memref<80xi32, #tpu.memory_space<vmem>>
      %dma_start3A_157 = arith.constant 0 : i32
      %dma_start3A_158 = tpu.memref_slice %arg17[%dma_start3A_157] : memref<10000xf32, #tpu.memory_space<vmem_shared>> -> memref<10000xf32, #tpu.memory_space<vmem_shared>>
      tpu.enqueue_indirect_dma source(%arg15 : memref<80xf32, #tpu.memory_space<vmem>>) target(%dma_start3A_158 : memref<10000xf32, #tpu.memory_space<vmem_shared>>) offsets(%dma_start3A_156 : memref<80xi32, #tpu.memory_space<vmem>>) semaphore(%arg20 : memref<!tpu.dma_semaphore, #tpu.memory_space<semaphore_mem>>) {add = true}
      %gt3A = arith.constant 0 : i32
      %gt3A_159 = arith.cmpi sgt, %scan3A_118, %gt3A : i32
      %convert_element_type3A_160 = arith.extui %gt3A_159 : i1 to i32
      %cond3A_161 = arith.constant 0 : i32
      %cond3A_162 = arith.cmpi ne, %convert_element_type3A_160, %cond3A_161 : i32
      scf.if %cond3A_162 {
        %sub3A = arith.constant 2 : i32
        %sub3A_163 = arith.subi %mul3A_120, %sub3A : i32
        %dma_wait3A_164 = arith.constant 0 : i32
        %dma_wait3A_165 = tpu.memref_slice %arg12[%sub3A_163, %dma_wait3A_164] : memref<125x80xi32, #tpu.memory_space<vmem>> -> memref<1x80xi32, #tpu.memory_space<vmem>>
        %dma_wait3A_166 = tpu.memref_squeeze %dma_wait3A_165 : memref<1x80xi32, #tpu.memory_space<vmem>> -> memref<80xi32, #tpu.memory_space<vmem>>
        %dma_wait3A_167 = arith.constant 0 : i32
        %dma_wait3A_168 = tpu.memref_slice %arg17[%dma_wait3A_167] : memref<10000xf32, #tpu.memory_space<vmem_shared>> -> memref<10000xf32, #tpu.memory_space<vmem_shared>>
        tpu.wait_indirect_dma semaphore(%arg20 : memref<!tpu.dma_semaphore, #tpu.memory_space<semaphore_mem>>) src(%arg15 : memref<80xf32, #tpu.memory_space<vmem>>) dst(%dma_wait3A_168 : memref<10000xf32, #tpu.memory_space<vmem_shared>>)
        %sub3A_169 = arith.constant 1 : i32
        %sub3A_170 = arith.subi %mul3A_120, %sub3A_169 : i32
        %dma_wait3A_171 = arith.constant 0 : i32
        %dma_wait3A_172 = tpu.memref_slice %arg12[%sub3A_170, %dma_wait3A_171] : memref<125x80xi32, #tpu.memory_space<vmem>> -> memref<1x80xi32, #tpu.memory_space<vmem>>
        %dma_wait3A_173 = tpu.memref_squeeze %dma_wait3A_172 : memref<1x80xi32, #tpu.memory_space<vmem>> -> memref<80xi32, #tpu.memory_space<vmem>>
        %dma_wait3A_174 = arith.constant 0 : i32
        %dma_wait3A_175 = tpu.memref_slice %arg17[%dma_wait3A_174] : memref<10000xf32, #tpu.memory_space<vmem_shared>> -> memref<10000xf32, #tpu.memory_space<vmem_shared>>
        tpu.wait_indirect_dma semaphore(%arg20 : memref<!tpu.dma_semaphore, #tpu.memory_space<semaphore_mem>>) src(%arg15 : memref<80xf32, #tpu.memory_space<vmem>>) dst(%dma_wait3A_175 : memref<10000xf32, #tpu.memory_space<vmem_shared>>)
      } else {
      }
    }
    %scan3A_63 = arith.constant 62 : i32
    %dma_wait3A_64 = arith.constant 9920 : i32
    %dma_wait3A_65 = tpu.memref_slice %arg11[%dma_wait3A_64] : memref<10000xi32, #tpu.memory_space<vmem>> -> memref<80xi32, #tpu.memory_space<vmem>>
    %dma_wait3A_66 = arith.constant 0 : i32
    %dma_wait3A_67 = arith.constant 0 : i32
    %dma_wait3A_68 = tpu.memref_slice %arg2[%dma_wait3A_66, %dma_wait3A_67] : memref<10000x128xf32, #tpu.memory_space<hbm>> -> memref<10000x128xf32, #tpu.memory_space<hbm>>
    tpu.wait_indirect_dma semaphore(%arg18 : memref<!tpu.dma_semaphore, #tpu.memory_space<semaphore_mem>>) src(%dma_wait3A_68 : memref<10000x128xf32, #tpu.memory_space<hbm>>) dst(%arg13 : memref<80x128xf32, #tpu.memory_space<vmem>>)
    %run_scoped3A = arith.constant 124 : i32
    "tpu.region"() ({
      %run_scoped3A_118 = tpu.sem_alloc : memref<!tpu.dma_semaphore, #tpu.memory_space<semaphore_mem>>
      %dma_start3A_119 = arith.constant 0 : i32
      %dma_start3A_120 = tpu.memref_slice %arg12[%run_scoped3A, %dma_start3A_119] : memref<125x80xi32, #tpu.memory_space<vmem>> -> memref<1x80xi32, #tpu.memory_space<vmem>>
      %dma_start3A_121 = tpu.memref_squeeze %dma_start3A_120 : memref<1x80xi32, #tpu.memory_space<vmem>> -> memref<80xi32, #tpu.memory_space<vmem>>
      %dma_start3A_122 = arith.constant 0 : i32
      %dma_start3A_123 = arith.constant 0 : i32
      %dma_start3A_124 = tpu.memref_slice %arg16[%dma_start3A_122, %dma_start3A_123] : memref<10000x128xf32, #tpu.memory_space<vmem_shared>> -> memref<10000x128xf32, #tpu.memory_space<vmem_shared>>
      tpu.enqueue_indirect_dma source(%arg13 : memref<80x128xf32, #tpu.memory_space<vmem>>) target(%dma_start3A_124 : memref<10000x128xf32, #tpu.memory_space<vmem_shared>>) offsets(%dma_start3A_121 : memref<80xi32, #tpu.memory_space<vmem>>) semaphore(%run_scoped3A_118 : memref<!tpu.dma_semaphore, #tpu.memory_space<semaphore_mem>>) {add = true}
      %dma_wait3A_125 = arith.constant 0 : i32
      %dma_wait3A_126 = tpu.memref_slice %arg12[%run_scoped3A, %dma_wait3A_125] : memref<125x80xi32, #tpu.memory_space<vmem>> -> memref<1x80xi32, #tpu.memory_space<vmem>>
      %dma_wait3A_127 = tpu.memref_squeeze %dma_wait3A_126 : memref<1x80xi32, #tpu.memory_space<vmem>> -> memref<80xi32, #tpu.memory_space<vmem>>
      %dma_wait3A_128 = arith.constant 0 : i32
      %dma_wait3A_129 = arith.constant 0 : i32
      %dma_wait3A_130 = tpu.memref_slice %arg16[%dma_wait3A_128, %dma_wait3A_129] : memref<10000x128xf32, #tpu.memory_space<vmem_shared>> -> memref<10000x128xf32, #tpu.memory_space<vmem_shared>>
      tpu.wait_indirect_dma semaphore(%run_scoped3A_118 : memref<!tpu.dma_semaphore, #tpu.memory_space<semaphore_mem>>) src(%arg13 : memref<80x128xf32, #tpu.memory_space<vmem>>) dst(%dma_wait3A_130 : memref<10000x128xf32, #tpu.memory_space<vmem_shared>>)
      tpu.yield
    }) : () -> ()
    %dma_start3A_69 = arith.constant 124 : i32
    %dma_start3A_70 = arith.constant 0 : i32
    %dma_start3A_71 = tpu.memref_slice %arg12[%dma_start3A_69, %dma_start3A_70] : memref<125x80xi32, #tpu.memory_space<vmem>> -> memref<1x80xi32, #tpu.memory_space<vmem>>
    %dma_start3A_72 = tpu.memref_squeeze %dma_start3A_71 : memref<1x80xi32, #tpu.memory_space<vmem>> -> memref<80xi32, #tpu.memory_space<vmem>>
    %dma_start3A_73 = arith.constant 0 : i32
    %dma_start3A_74 = tpu.memref_slice %arg17[%dma_start3A_73] : memref<10000xf32, #tpu.memory_space<vmem_shared>> -> memref<10000xf32, #tpu.memory_space<vmem_shared>>
    tpu.enqueue_indirect_dma source(%arg15 : memref<80xf32, #tpu.memory_space<vmem>>) target(%dma_start3A_74 : memref<10000xf32, #tpu.memory_space<vmem_shared>>) offsets(%dma_start3A_72 : memref<80xi32, #tpu.memory_space<vmem>>) semaphore(%arg20 : memref<!tpu.dma_semaphore, #tpu.memory_space<semaphore_mem>>) {add = true}
    %dma_wait3A_75 = arith.constant 122 : i32
    %dma_wait3A_76 = arith.constant 0 : i32
    %dma_wait3A_77 = tpu.memref_slice %arg12[%dma_wait3A_75, %dma_wait3A_76] : memref<125x80xi32, #tpu.memory_space<vmem>> -> memref<1x80xi32, #tpu.memory_space<vmem>>
    %dma_wait3A_78 = tpu.memref_squeeze %dma_wait3A_77 : memref<1x80xi32, #tpu.memory_space<vmem>> -> memref<80xi32, #tpu.memory_space<vmem>>
    %dma_wait3A_79 = arith.constant 0 : i32
    %dma_wait3A_80 = tpu.memref_slice %arg17[%dma_wait3A_79] : memref<10000xf32, #tpu.memory_space<vmem_shared>> -> memref<10000xf32, #tpu.memory_space<vmem_shared>>
    tpu.wait_indirect_dma semaphore(%arg20 : memref<!tpu.dma_semaphore, #tpu.memory_space<semaphore_mem>>) src(%arg15 : memref<80xf32, #tpu.memory_space<vmem>>) dst(%dma_wait3A_80 : memref<10000xf32, #tpu.memory_space<vmem_shared>>)
    %dma_wait3A_81 = arith.constant 123 : i32
    %dma_wait3A_82 = arith.constant 0 : i32
    %dma_wait3A_83 = tpu.memref_slice %arg12[%dma_wait3A_81, %dma_wait3A_82] : memref<125x80xi32, #tpu.memory_space<vmem>> -> memref<1x80xi32, #tpu.memory_space<vmem>>
    %dma_wait3A_84 = tpu.memref_squeeze %dma_wait3A_83 : memref<1x80xi32, #tpu.memory_space<vmem>> -> memref<80xi32, #tpu.memory_space<vmem>>
    %dma_wait3A_85 = arith.constant 0 : i32
    %dma_wait3A_86 = tpu.memref_slice %arg17[%dma_wait3A_85] : memref<10000xf32, #tpu.memory_space<vmem_shared>> -> memref<10000xf32, #tpu.memory_space<vmem_shared>>
    tpu.wait_indirect_dma semaphore(%arg20 : memref<!tpu.dma_semaphore, #tpu.memory_space<semaphore_mem>>) src(%arg15 : memref<80xf32, #tpu.memory_space<vmem>>) dst(%dma_wait3A_86 : memref<10000xf32, #tpu.memory_space<vmem_shared>>)
    %dma_wait3A_87 = arith.constant 124 : i32
    %dma_wait3A_88 = arith.constant 0 : i32
    %dma_wait3A_89 = tpu.memref_slice %arg12[%dma_wait3A_87, %dma_wait3A_88] : memref<125x80xi32, #tpu.memory_space<vmem>> -> memref<1x80xi32, #tpu.memory_space<vmem>>
    %dma_wait3A_90 = tpu.memref_squeeze %dma_wait3A_89 : memref<1x80xi32, #tpu.memory_space<vmem>> -> memref<80xi32, #tpu.memory_space<vmem>>
    %dma_wait3A_91 = arith.constant 0 : i32
    %dma_wait3A_92 = tpu.memref_slice %arg17[%dma_wait3A_91] : memref<10000xf32, #tpu.memory_space<vmem_shared>> -> memref<10000xf32, #tpu.memory_space<vmem_shared>>
    tpu.wait_indirect_dma semaphore(%arg20 : memref<!tpu.dma_semaphore, #tpu.memory_space<semaphore_mem>>) src(%arg15 : memref<80xf32, #tpu.memory_space<vmem>>) dst(%dma_wait3A_92 : memref<10000xf32, #tpu.memory_space<vmem_shared>>)
    %barrier3A_93 = arith.constant 0 : index
    tpu.barrier barrier_id(%barrier3A_93)
    %mul3A_94 = arith.constant 624 : i32
    %mul3A_95 = arith.muli %arg1, %mul3A_94 : i32
    %mul3A_96 = arith.constant 624 : i32
    %mul3A_97 = arith.muli %arg1, %mul3A_96 : i32
    "tpu.region"() ({
      %run_scoped3A_118 = tpu.sem_alloc : memref<!tpu.dma_semaphore, #tpu.memory_space<semaphore_mem>>
      %dma_start3A_119 = arith.constant 0 : i32
      %dma_start3A_120 = tpu.memref_slice %arg8[%arg0, %mul3A_97, %dma_start3A_119] : memref<2x10000x128xf32, #tpu.memory_space<hbm>> -> memref<1x624x128xf32, #tpu.memory_space<hbm>>
      %dma_start3A_121 = tpu.memref_squeeze %dma_start3A_120 : memref<1x624x128xf32, #tpu.memory_space<hbm>> -> memref<624x128xf32, #tpu.memory_space<hbm>>
      %dma_start3A_122 = arith.constant 0 : i32
      %dma_start3A_123 = tpu.memref_slice %arg16[%mul3A_95, %dma_start3A_122] : memref<10000x128xf32, #tpu.memory_space<vmem_shared>> -> memref<624x128xf32, #tpu.memory_space<vmem_shared>>
      tpu.enqueue_dma source(%dma_start3A_123 : memref<624x128xf32, #tpu.memory_space<vmem_shared>>) target(%dma_start3A_121 : memref<624x128xf32, #tpu.memory_space<hbm>>) target_semaphore(%run_scoped3A_118 : memref<!tpu.dma_semaphore, #tpu.memory_space<semaphore_mem>>)
      %dma_wait3A_124 = arith.constant 0 : i32
      %dma_wait3A_125 = tpu.memref_slice %arg8[%arg0, %mul3A_97, %dma_wait3A_124] : memref<2x10000x128xf32, #tpu.memory_space<hbm>> -> memref<1x624x128xf32, #tpu.memory_space<hbm>>
      %dma_wait3A_126 = tpu.memref_squeeze %dma_wait3A_125 : memref<1x624x128xf32, #tpu.memory_space<hbm>> -> memref<624x128xf32, #tpu.memory_space<hbm>>
      %dma_wait3A_127 = arith.constant 0 : i32
      %dma_wait3A_128 = tpu.memref_slice %arg16[%mul3A_95, %dma_wait3A_127] : memref<10000x128xf32, #tpu.memory_space<vmem_shared>> -> memref<624x128xf32, #tpu.memory_space<vmem_shared>>
      tpu.wait_dma2 semaphore(%run_scoped3A_118 : memref<!tpu.dma_semaphore, #tpu.memory_space<semaphore_mem>>) src(%dma_wait3A_128 : memref<624x128xf32, #tpu.memory_space<vmem_shared>>) dst(%dma_wait3A_126 : memref<624x128xf32, #tpu.memory_space<hbm>>)
      tpu.yield
    }) : () -> ()
    %eq3A_98 = arith.constant 15 : i32
    %eq3A_99 = arith.cmpi eq, %arg1, %eq3A_98 : i32
    %convert_element_type3A_100 = arith.extui %eq3A_99 : i1 to i32
    %cond3A_101 = arith.constant 0 : i32
    %cond3A_102 = arith.cmpi ne, %convert_element_type3A_100, %cond3A_101 : i32
    scf.if %cond3A_102 {
      "tpu.region"() ({
        %run_scoped3A_118 = tpu.sem_alloc : memref<!tpu.dma_semaphore, #tpu.memory_space<semaphore_mem>>
        %dma_start3A_119 = arith.constant 9984 : i32
        %dma_start3A_120 = arith.constant 0 : i32
        %dma_start3A_121 = tpu.memref_slice %arg8[%arg0, %dma_start3A_119, %dma_start3A_120] : memref<2x10000x128xf32, #tpu.memory_space<hbm>> -> memref<1x16x128xf32, #tpu.memory_space<hbm>>
        %dma_start3A_122 = tpu.memref_squeeze %dma_start3A_121 : memref<1x16x128xf32, #tpu.memory_space<hbm>> -> memref<16x128xf32, #tpu.memory_space<hbm>>
        %dma_start3A_123 = arith.constant 9984 : i32
        %dma_start3A_124 = arith.constant 0 : i32
        %dma_start3A_125 = tpu.memref_slice %arg16[%dma_start3A_123, %dma_start3A_124] : memref<10000x128xf32, #tpu.memory_space<vmem_shared>> -> memref<16x128xf32, #tpu.memory_space<vmem_shared>>
        tpu.enqueue_dma source(%dma_start3A_125 : memref<16x128xf32, #tpu.memory_space<vmem_shared>>) target(%dma_start3A_122 : memref<16x128xf32, #tpu.memory_space<hbm>>) target_semaphore(%run_scoped3A_118 : memref<!tpu.dma_semaphore, #tpu.memory_space<semaphore_mem>>)
        %dma_wait3A_126 = arith.constant 9984 : i32
        %dma_wait3A_127 = arith.constant 0 : i32
        %dma_wait3A_128 = tpu.memref_slice %arg8[%arg0, %dma_wait3A_126, %dma_wait3A_127] : memref<2x10000x128xf32, #tpu.memory_space<hbm>> -> memref<1x16x128xf32, #tpu.memory_space<hbm>>
        %dma_wait3A_129 = tpu.memref_squeeze %dma_wait3A_128 : memref<1x16x128xf32, #tpu.memory_space<hbm>> -> memref<16x128xf32, #tpu.memory_space<hbm>>
        %dma_wait3A_130 = arith.constant 9984 : i32
        %dma_wait3A_131 = arith.constant 0 : i32
        %dma_wait3A_132 = tpu.memref_slice %arg16[%dma_wait3A_130, %dma_wait3A_131] : memref<10000x128xf32, #tpu.memory_space<vmem_shared>> -> memref<16x128xf32, #tpu.memory_space<vmem_shared>>
        tpu.wait_dma2 semaphore(%run_scoped3A_118 : memref<!tpu.dma_semaphore, #tpu.memory_space<semaphore_mem>>) src(%dma_wait3A_132 : memref<16x128xf32, #tpu.memory_space<vmem_shared>>) dst(%dma_wait3A_129 : memref<16x128xf32, #tpu.memory_space<hbm>>)
        tpu.yield
      }) : () -> ()
    } else {
    }
    %eq3A_103 = arith.constant 0 : i32
    %eq3A_104 = arith.cmpi eq, %arg1, %eq3A_103 : i32
    %eq3A_105 = arith.constant 0 : i32
    %eq3A_106 = arith.cmpi eq, %arg0, %eq3A_105 : i32
    %and3A = arith.andi %eq3A_104, %eq3A_106 : i1
    %convert_element_type3A_107 = arith.extui %and3A : i1 to i32
    %cond3A_108 = arith.constant 0 : i32
    %cond3A_109 = arith.cmpi ne, %convert_element_type3A_107, %cond3A_108 : i32
    scf.if %cond3A_109 {
      "tpu.region"() ({
        %run_scoped3A_118 = tpu.sem_alloc : memref<!tpu.dma_semaphore, #tpu.memory_space<semaphore_mem>>
        tpu.enqueue_dma source(%arg17 : memref<10000xf32, #tpu.memory_space<vmem_shared>>) target(%arg9 : memref<10000xf32, #tpu.memory_space<hbm>>) target_semaphore(%run_scoped3A_118 : memref<!tpu.dma_semaphore, #tpu.memory_space<semaphore_mem>>)
        tpu.wait_dma2 semaphore(%run_scoped3A_118 : memref<!tpu.dma_semaphore, #tpu.memory_space<semaphore_mem>>) src(%arg17 : memref<10000xf32, #tpu.memory_space<vmem_shared>>) dst(%arg9 : memref<10000xf32, #tpu.memory_space<hbm>>)
        tpu.yield
      }) : () -> ()
    } else {
    }
    %eq3A_110 = arith.constant 0 : i32
    %eq3A_111 = arith.cmpi eq, %arg1, %eq3A_110 : i32
    %eq3A_112 = arith.constant 1 : i32
    %eq3A_113 = arith.cmpi eq, %arg0, %eq3A_112 : i32
    %and3A_114 = arith.andi %eq3A_111, %eq3A_113 : i1
    %convert_element_type3A_115 = arith.extui %and3A_114 : i1 to i32
    %cond3A_116 = arith.constant 0 : i32
    %cond3A_117 = arith.cmpi ne, %convert_element_type3A_115, %cond3A_116 : i32
    scf.if %cond3A_117 {
      "tpu.region"() ({
        %run_scoped3A_118 = tpu.sem_alloc : memref<!tpu.dma_semaphore, #tpu.memory_space<semaphore_mem>>
        tpu.enqueue_dma source(%arg17 : memref<10000xf32, #tpu.memory_space<vmem_shared>>) target(%arg10 : memref<10000xf32, #tpu.memory_space<hbm>>) target_semaphore(%run_scoped3A_118 : memref<!tpu.dma_semaphore, #tpu.memory_space<semaphore_mem>>)
        tpu.wait_dma2 semaphore(%run_scoped3A_118 : memref<!tpu.dma_semaphore, #tpu.memory_space<semaphore_mem>>) src(%arg17 : memref<10000xf32, #tpu.memory_space<vmem_shared>>) dst(%arg10 : memref<10000xf32, #tpu.memory_space<hbm>>)
        tpu.yield
      }) : () -> ()
    } else {
    }
    return
  }
}

#map = affine_map<(d0, d1) -> (0, 0)>
#map1 = affine_map<(d0, d1) -> (0)>
#map2 = affine_map<(d0, d1) -> (0, 0, 0)>
module attributes {stable_mosaic.version = 14 : i64} {
  func.func @_sc_agg_body(%arg0: i32, %arg1: i32, %arg2: memref<10000x128xf32, #tpu.memory_space<hbm>>, %arg3: memref<320000xi32, #tpu.memory_space<hbm>>, %arg4: memref<32x125x80xi32, #tpu.memory_space<hbm>>, %arg5: memref<624x128xf32, #tpu.memory_space<hbm>>, %arg6: memref<10000xf32, #tpu.memory_space<hbm>>, %arg7: memref<80xf32, #tpu.memory_space<hbm>>, %arg8: memref<2x10000x128xf32, #tpu.memory_space<hbm>>, %arg9: memref<10000xf32, #tpu.memory_space<hbm>>, %arg10: memref<10000xf32, #tpu.memory_space<hbm>>, %arg11: memref<10000xi32, #tpu.memory_space<vmem>>, %arg12: memref<125x80xi32, #tpu.memory_space<vmem>>, %arg13: memref<80x128xf32, #tpu.memory_space<vmem>>, %arg14: memref<80x128xf32, #tpu.memory_space<vmem>>, %arg15: memref<80xf32, #tpu.memory_space<vmem>>, %arg16: memref<10000x128xf32, #tpu.memory_space<vmem_shared>>, %arg17: memref<10000xf32, #tpu.memory_space<vmem_shared>>, %arg18: memref<!tpu.dma_semaphore, #tpu.memory_space<semaphore_mem>>, %arg19: memref<!tpu.dma_semaphore, #tpu.memory_space<semaphore_mem>>, %arg20: memref<!tpu.dma_semaphore, #tpu.memory_space<semaphore_mem>>, %arg21: memref<!tpu.dma_semaphore, #tpu.memory_space<semaphore_mem>>) attributes {dimension_semantics = [#tpu.dimension_semantics<core_parallel>, #tpu.dimension_semantics<subcore_parallel>], iteration_bounds = array<i64: 2, 16>, scalar_prefetch = 0 : i64, scratch_operands = 11 : i64, tpu.core_type = #tpu.core_type<sc_vector_subcore>, window_params = [{transform_indices = #map}, {transform_indices = #map1}, {transform_indices = #map2}, {transform_indices = #map}, {transform_indices = #map1}, {transform_indices = #map1}, {transform_indices = #map2}, {transform_indices = #map1}, {transform_indices = #map1}]} {
    %mul3A = arith.constant 16 : i32
    %mul3A_0 = arith.muli %arg0, %mul3A : i32
    %add3A = arith.addi %mul3A_0, %arg1 : i32
    %mul3A_1 = arith.constant 10000 : i32
    %mul3A_2 = arith.muli %add3A, %mul3A_1 : i32
    %dma_start3A = tpu.memref_slice %arg3[%mul3A_2] : memref<320000xi32, #tpu.memory_space<hbm>> -> memref<10000xi32, #tpu.memory_space<hbm>>
    %dma_start3A_3 = tpu.memref_slice %arg3[%mul3A_2] : memref<320000xi32, #tpu.memory_space<hbm>> -> memref<10000xi32, #tpu.memory_space<hbm>>
    tpu.enqueue_dma source(%dma_start3A_3 : memref<10000xi32, #tpu.memory_space<hbm>>) target(%arg11 : memref<10000xi32, #tpu.memory_space<vmem>>) target_semaphore(%arg21 : memref<!tpu.dma_semaphore, #tpu.memory_space<semaphore_mem>>)
    %dma_start3A_4 = arith.constant 0 : i32
    %dma_start3A_5 = arith.constant 0 : i32
    %dma_start3A_6 = tpu.memref_slice %arg4[%add3A, %dma_start3A_4, %dma_start3A_5] : memref<32x125x80xi32, #tpu.memory_space<hbm>> -> memref<1x125x80xi32, #tpu.memory_space<hbm>>
    %dma_start3A_7 = tpu.memref_squeeze %dma_start3A_6 : memref<1x125x80xi32, #tpu.memory_space<hbm>> -> memref<125x80xi32, #tpu.memory_space<hbm>>
    %dma_start3A_8 = arith.constant 0 : i32
    %dma_start3A_9 = arith.constant 0 : i32
    %dma_start3A_10 = tpu.memref_slice %arg4[%add3A, %dma_start3A_8, %dma_start3A_9] : memref<32x125x80xi32, #tpu.memory_space<hbm>> -> memref<1x125x80xi32, #tpu.memory_space<hbm>>
    %dma_start3A_11 = tpu.memref_squeeze %dma_start3A_10 : memref<1x125x80xi32, #tpu.memory_space<hbm>> -> memref<125x80xi32, #tpu.memory_space<hbm>>
    tpu.enqueue_dma source(%dma_start3A_11 : memref<125x80xi32, #tpu.memory_space<hbm>>) target(%arg12 : memref<125x80xi32, #tpu.memory_space<vmem>>) target_semaphore(%arg21 : memref<!tpu.dma_semaphore, #tpu.memory_space<semaphore_mem>>)
    %mul3A_12 = arith.constant 624 : i32
    %mul3A_13 = arith.muli %arg1, %mul3A_12 : i32
    %dma_start3A_14 = arith.constant 0 : i32
    %dma_start3A_15 = tpu.memref_slice %arg16[%mul3A_13, %dma_start3A_14] : memref<10000x128xf32, #tpu.memory_space<vmem_shared>> -> memref<624x128xf32, #tpu.memory_space<vmem_shared>>
    %dma_start3A_16 = arith.constant 0 : i32
    %dma_start3A_17 = arith.constant 0 : i32
    %dma_start3A_18 = tpu.memref_slice %arg5[%dma_start3A_16, %dma_start3A_17] : memref<624x128xf32, #tpu.memory_space<hbm>> -> memref<624x128xf32, #tpu.memory_space<hbm>>
    tpu.enqueue_dma source(%dma_start3A_18 : memref<624x128xf32, #tpu.memory_space<hbm>>) target(%dma_start3A_15 : memref<624x128xf32, #tpu.memory_space<vmem_shared>>) target_semaphore(%arg21 : memref<!tpu.dma_semaphore, #tpu.memory_space<semaphore_mem>>)
    tpu.enqueue_dma source(%arg7 : memref<80xf32, #tpu.memory_space<hbm>>) target(%arg15 : memref<80xf32, #tpu.memory_space<vmem>>) target_semaphore(%arg21 : memref<!tpu.dma_semaphore, #tpu.memory_space<semaphore_mem>>)
    %eq3A = arith.constant 15 : i32
    %eq3A_19 = arith.cmpi eq, %arg1, %eq3A : i32
    %convert_element_type3A = arith.extui %eq3A_19 : i1 to i32
    %cond3A = arith.constant 0 : i32
    %cond3A_20 = arith.cmpi ne, %convert_element_type3A, %cond3A : i32
    scf.if %cond3A_20 {
      %dma_start3A_118 = arith.constant 9984 : i32
      %dma_start3A_119 = arith.constant 0 : i32
      %dma_start3A_120 = tpu.memref_slice %arg16[%dma_start3A_118, %dma_start3A_119] : memref<10000x128xf32, #tpu.memory_space<vmem_shared>> -> memref<16x128xf32, #tpu.memory_space<vmem_shared>>
      %dma_start3A_121 = arith.constant 0 : i32
      %dma_start3A_122 = arith.constant 0 : i32
      %dma_start3A_123 = tpu.memref_slice %arg5[%dma_start3A_121, %dma_start3A_122] : memref<624x128xf32, #tpu.memory_space<hbm>> -> memref<16x128xf32, #tpu.memory_space<hbm>>
      tpu.enqueue_dma source(%dma_start3A_123 : memref<16x128xf32, #tpu.memory_space<hbm>>) target(%dma_start3A_120 : memref<16x128xf32, #tpu.memory_space<vmem_shared>>) target_semaphore(%arg21 : memref<!tpu.dma_semaphore, #tpu.memory_space<semaphore_mem>>)
    } else {
    }
    %eq3A_21 = arith.constant 0 : i32
    %eq3A_22 = arith.cmpi eq, %arg1, %eq3A_21 : i32
    %convert_element_type3A_23 = arith.extui %eq3A_22 : i1 to i32
    %cond3A_24 = arith.constant 0 : i32
    %cond3A_25 = arith.cmpi ne, %convert_element_type3A_23, %cond3A_24 : i32
    scf.if %cond3A_25 {
      tpu.enqueue_dma source(%arg6 : memref<10000xf32, #tpu.memory_space<hbm>>) target(%arg17 : memref<10000xf32, #tpu.memory_space<vmem_shared>>) target_semaphore(%arg21 : memref<!tpu.dma_semaphore, #tpu.memory_space<semaphore_mem>>)
    } else {
    }
    %mul3A_26 = arith.constant 10000 : i32
    %mul3A_27 = arith.muli %add3A, %mul3A_26 : i32
    %dma_wait3A = tpu.memref_slice %arg3[%mul3A_27] : memref<320000xi32, #tpu.memory_space<hbm>> -> memref<10000xi32, #tpu.memory_space<hbm>>
    %dma_wait3A_28 = tpu.memref_slice %arg3[%mul3A_27] : memref<320000xi32, #tpu.memory_space<hbm>> -> memref<10000xi32, #tpu.memory_space<hbm>>
    tpu.wait_dma2 semaphore(%arg21 : memref<!tpu.dma_semaphore, #tpu.memory_space<semaphore_mem>>) src(%dma_wait3A_28 : memref<10000xi32, #tpu.memory_space<hbm>>) dst(%arg11 : memref<10000xi32, #tpu.memory_space<vmem>>)
    %dma_start3A_29 = arith.constant 0 : i32
    %dma_start3A_30 = tpu.memref_slice %arg11[%dma_start3A_29] : memref<10000xi32, #tpu.memory_space<vmem>> -> memref<80xi32, #tpu.memory_space<vmem>>
    %dma_start3A_31 = arith.constant 0 : i32
    %dma_start3A_32 = arith.constant 0 : i32
    %dma_start3A_33 = tpu.memref_slice %arg2[%dma_start3A_31, %dma_start3A_32] : memref<10000x128xf32, #tpu.memory_space<hbm>> -> memref<10000x128xf32, #tpu.memory_space<hbm>>
    tpu.enqueue_indirect_dma source(%dma_start3A_33 : memref<10000x128xf32, #tpu.memory_space<hbm>>) target(%arg13 : memref<80x128xf32, #tpu.memory_space<vmem>>) offsets(%dma_start3A_30 : memref<80xi32, #tpu.memory_space<vmem>>) semaphore(%arg18 : memref<!tpu.dma_semaphore, #tpu.memory_space<semaphore_mem>>)
    %dma_wait3A_34 = arith.constant 0 : i32
    %dma_wait3A_35 = arith.constant 0 : i32
    %dma_wait3A_36 = tpu.memref_slice %arg4[%add3A, %dma_wait3A_34, %dma_wait3A_35] : memref<32x125x80xi32, #tpu.memory_space<hbm>> -> memref<1x125x80xi32, #tpu.memory_space<hbm>>
    %dma_wait3A_37 = tpu.memref_squeeze %dma_wait3A_36 : memref<1x125x80xi32, #tpu.memory_space<hbm>> -> memref<125x80xi32, #tpu.memory_space<hbm>>
    %dma_wait3A_38 = arith.constant 0 : i32
    %dma_wait3A_39 = arith.constant 0 : i32
    %dma_wait3A_40 = tpu.memref_slice %arg4[%add3A, %dma_wait3A_38, %dma_wait3A_39] : memref<32x125x80xi32, #tpu.memory_space<hbm>> -> memref<1x125x80xi32, #tpu.memory_space<hbm>>
    %dma_wait3A_41 = tpu.memref_squeeze %dma_wait3A_40 : memref<1x125x80xi32, #tpu.memory_space<hbm>> -> memref<125x80xi32, #tpu.memory_space<hbm>>
    tpu.wait_dma2 semaphore(%arg21 : memref<!tpu.dma_semaphore, #tpu.memory_space<semaphore_mem>>) src(%dma_wait3A_41 : memref<125x80xi32, #tpu.memory_space<hbm>>) dst(%arg12 : memref<125x80xi32, #tpu.memory_space<vmem>>)
    %mul3A_42 = arith.constant 624 : i32
    %mul3A_43 = arith.muli %arg1, %mul3A_42 : i32
    %dma_wait3A_44 = arith.constant 0 : i32
    %dma_wait3A_45 = tpu.memref_slice %arg16[%mul3A_43, %dma_wait3A_44] : memref<10000x128xf32, #tpu.memory_space<vmem_shared>> -> memref<624x128xf32, #tpu.memory_space<vmem_shared>>
    %dma_wait3A_46 = arith.constant 0 : i32
    %dma_wait3A_47 = arith.constant 0 : i32
    %dma_wait3A_48 = tpu.memref_slice %arg5[%dma_wait3A_46, %dma_wait3A_47] : memref<624x128xf32, #tpu.memory_space<hbm>> -> memref<624x128xf32, #tpu.memory_space<hbm>>
    tpu.wait_dma2 semaphore(%arg21 : memref<!tpu.dma_semaphore, #tpu.memory_space<semaphore_mem>>) src(%dma_wait3A_48 : memref<624x128xf32, #tpu.memory_space<hbm>>) dst(%dma_wait3A_45 : memref<624x128xf32, #tpu.memory_space<vmem_shared>>)
    tpu.wait_dma2 semaphore(%arg21 : memref<!tpu.dma_semaphore, #tpu.memory_space<semaphore_mem>>) src(%arg7 : memref<80xf32, #tpu.memory_space<hbm>>) dst(%arg15 : memref<80xf32, #tpu.memory_space<vmem>>)
    %eq3A_49 = arith.constant 15 : i32
    %eq3A_50 = arith.cmpi eq, %arg1, %eq3A_49 : i32
    %convert_element_type3A_51 = arith.extui %eq3A_50 : i1 to i32
    %cond3A_52 = arith.constant 0 : i32
    %cond3A_53 = arith.cmpi ne, %convert_element_type3A_51, %cond3A_52 : i32
    scf.if %cond3A_53 {
      %dma_wait3A_118 = arith.constant 9984 : i32
      %dma_wait3A_119 = arith.constant 0 : i32
      %dma_wait3A_120 = tpu.memref_slice %arg16[%dma_wait3A_118, %dma_wait3A_119] : memref<10000x128xf32, #tpu.memory_space<vmem_shared>> -> memref<16x128xf32, #tpu.memory_space<vmem_shared>>
      %dma_wait3A_121 = arith.constant 0 : i32
      %dma_wait3A_122 = arith.constant 0 : i32
      %dma_wait3A_123 = tpu.memref_slice %arg5[%dma_wait3A_121, %dma_wait3A_122] : memref<624x128xf32, #tpu.memory_space<hbm>> -> memref<16x128xf32, #tpu.memory_space<hbm>>
      tpu.wait_dma2 semaphore(%arg21 : memref<!tpu.dma_semaphore, #tpu.memory_space<semaphore_mem>>) src(%dma_wait3A_123 : memref<16x128xf32, #tpu.memory_space<hbm>>) dst(%dma_wait3A_120 : memref<16x128xf32, #tpu.memory_space<vmem_shared>>)
    } else {
    }
    %eq3A_54 = arith.constant 0 : i32
    %eq3A_55 = arith.cmpi eq, %arg1, %eq3A_54 : i32
    %convert_element_type3A_56 = arith.extui %eq3A_55 : i1 to i32
    %cond3A_57 = arith.constant 0 : i32
    %cond3A_58 = arith.cmpi ne, %convert_element_type3A_56, %cond3A_57 : i32
    scf.if %cond3A_58 {
      tpu.wait_dma2 semaphore(%arg21 : memref<!tpu.dma_semaphore, #tpu.memory_space<semaphore_mem>>) src(%arg6 : memref<10000xf32, #tpu.memory_space<hbm>>) dst(%arg17 : memref<10000xf32, #tpu.memory_space<vmem_shared>>)
    } else {
    }
    %barrier3A = arith.constant 0 : index
    tpu.barrier barrier_id(%barrier3A)
    %scan3A = arith.constant 0 : i32
    %scan3A_59 = arith.constant 0 : i32
    %scan3A_60 = arith.constant 62 : i32
    %scan3A_61 = arith.addi %scan3A_59, %scan3A_60 : i32
    %scan3A_62 = arith.constant 1 : i32
    scf.for %scan3A_118 = %scan3A_59 to %scan3A_61 step %scan3A_62  : i32 {
      %mul3A_119 = arith.constant 2 : i32
      %mul3A_120 = arith.muli %mul3A_119, %scan3A_118 : i32
      %add3A_121 = arith.constant 1 : i32
      %add3A_122 = arith.addi %mul3A_120, %add3A_121 : i32
      %mul3A_123 = arith.constant 80 : i32
      %mul3A_124 = arith.muli %add3A_122, %mul3A_123 : i32
      %dma_start3A_125 = tpu.memref_slice %arg11[%mul3A_124] : memref<10000xi32, #tpu.memory_space<vmem>> -> memref<80xi32, #tpu.memory_space<vmem>>
      %dma_start3A_126 = arith.constant 0 : i32
      %dma_start3A_127 = arith.constant 0 : i32
      %dma_start3A_128 = tpu.memref_slice %arg2[%dma_start3A_126, %dma_start3A_127] : memref<10000x128xf32, #tpu.memory_space<hbm>> -> memref<10000x128xf32, #tpu.memory_space<hbm>>
      tpu.enqueue_indirect_dma source(%dma_start3A_128 : memref<10000x128xf32, #tpu.memory_space<hbm>>) target(%arg14 : memref<80x128xf32, #tpu.memory_space<vmem>>) offsets(%dma_start3A_125 : memref<80xi32, #tpu.memory_space<vmem>>) semaphore(%arg19 : memref<!tpu.dma_semaphore, #tpu.memory_space<semaphore_mem>>)
      %mul3A_129 = arith.constant 80 : i32
      %mul3A_130 = arith.muli %mul3A_120, %mul3A_129 : i32
      %dma_wait3A_131 = tpu.memref_slice %arg11[%mul3A_130] : memref<10000xi32, #tpu.memory_space<vmem>> -> memref<80xi32, #tpu.memory_space<vmem>>
      %dma_wait3A_132 = arith.constant 0 : i32
      %dma_wait3A_133 = arith.constant 0 : i32
      %dma_wait3A_134 = tpu.memref_slice %arg2[%dma_wait3A_132, %dma_wait3A_133] : memref<10000x128xf32, #tpu.memory_space<hbm>> -> memref<10000x128xf32, #tpu.memory_space<hbm>>
      tpu.wait_indirect_dma semaphore(%arg18 : memref<!tpu.dma_semaphore, #tpu.memory_space<semaphore_mem>>) src(%dma_wait3A_134 : memref<10000x128xf32, #tpu.memory_space<hbm>>) dst(%arg13 : memref<80x128xf32, #tpu.memory_space<vmem>>)
      "tpu.region"() ({
        %run_scoped3A_163 = tpu.sem_alloc : memref<!tpu.dma_semaphore, #tpu.memory_space<semaphore_mem>>
        %dma_start3A_164 = arith.constant 0 : i32
        %dma_start3A_165 = tpu.memref_slice %arg12[%mul3A_120, %dma_start3A_164] : memref<125x80xi32, #tpu.memory_space<vmem>> -> memref<1x80xi32, #tpu.memory_space<vmem>>
        %dma_start3A_166 = tpu.memref_squeeze %dma_start3A_165 : memref<1x80xi32, #tpu.memory_space<vmem>> -> memref<80xi32, #tpu.memory_space<vmem>>
        %dma_start3A_167 = arith.constant 0 : i32
        %dma_start3A_168 = arith.constant 0 : i32
        %dma_start3A_169 = tpu.memref_slice %arg16[%dma_start3A_167, %dma_start3A_168] : memref<10000x128xf32, #tpu.memory_space<vmem_shared>> -> memref<10000x128xf32, #tpu.memory_space<vmem_shared>>
        tpu.enqueue_indirect_dma source(%arg13 : memref<80x128xf32, #tpu.memory_space<vmem>>) target(%dma_start3A_169 : memref<10000x128xf32, #tpu.memory_space<vmem_shared>>) offsets(%dma_start3A_166 : memref<80xi32, #tpu.memory_space<vmem>>) semaphore(%run_scoped3A_163 : memref<!tpu.dma_semaphore, #tpu.memory_space<semaphore_mem>>) {add = true}
        %dma_wait3A_170 = arith.constant 0 : i32
        %dma_wait3A_171 = tpu.memref_slice %arg12[%mul3A_120, %dma_wait3A_170] : memref<125x80xi32, #tpu.memory_space<vmem>> -> memref<1x80xi32, #tpu.memory_space<vmem>>
        %dma_wait3A_172 = tpu.memref_squeeze %dma_wait3A_171 : memref<1x80xi32, #tpu.memory_space<vmem>> -> memref<80xi32, #tpu.memory_space<vmem>>
        %dma_wait3A_173 = arith.constant 0 : i32
        %dma_wait3A_174 = arith.constant 0 : i32
        %dma_wait3A_175 = tpu.memref_slice %arg16[%dma_wait3A_173, %dma_wait3A_174] : memref<10000x128xf32, #tpu.memory_space<vmem_shared>> -> memref<10000x128xf32, #tpu.memory_space<vmem_shared>>
        tpu.wait_indirect_dma semaphore(%run_scoped3A_163 : memref<!tpu.dma_semaphore, #tpu.memory_space<semaphore_mem>>) src(%arg13 : memref<80x128xf32, #tpu.memory_space<vmem>>) dst(%dma_wait3A_175 : memref<10000x128xf32, #tpu.memory_space<vmem_shared>>)
        tpu.yield
      }) : () -> ()
      %dma_start3A_135 = arith.constant 0 : i32
      %dma_start3A_136 = tpu.memref_slice %arg12[%mul3A_120, %dma_start3A_135] : memref<125x80xi32, #tpu.memory_space<vmem>> -> memref<1x80xi32, #tpu.memory_space<vmem>>
      %dma_start3A_137 = tpu.memref_squeeze %dma_start3A_136 : memref<1x80xi32, #tpu.memory_space<vmem>> -> memref<80xi32, #tpu.memory_space<vmem>>
      %dma_start3A_138 = arith.constant 0 : i32
      %dma_start3A_139 = tpu.memref_slice %arg17[%dma_start3A_138] : memref<10000xf32, #tpu.memory_space<vmem_shared>> -> memref<10000xf32, #tpu.memory_space<vmem_shared>>
      tpu.enqueue_indirect_dma source(%arg15 : memref<80xf32, #tpu.memory_space<vmem>>) target(%dma_start3A_139 : memref<10000xf32, #tpu.memory_space<vmem_shared>>) offsets(%dma_start3A_137 : memref<80xi32, #tpu.memory_space<vmem>>) semaphore(%arg20 : memref<!tpu.dma_semaphore, #tpu.memory_space<semaphore_mem>>) {add = true}
      %add3A_140 = arith.constant 2 : i32
      %add3A_141 = arith.addi %mul3A_120, %add3A_140 : i32
      %mul3A_142 = arith.constant 80 : i32
      %mul3A_143 = arith.muli %add3A_141, %mul3A_142 : i32
      %dma_start3A_144 = tpu.memref_slice %arg11[%mul3A_143] : memref<10000xi32, #tpu.memory_space<vmem>> -> memref<80xi32, #tpu.memory_space<vmem>>
      %dma_start3A_145 = arith.constant 0 : i32
      %dma_start3A_146 = arith.constant 0 : i32
      %dma_start3A_147 = tpu.memref_slice %arg2[%dma_start3A_145, %dma_start3A_146] : memref<10000x128xf32, #tpu.memory_space<hbm>> -> memref<10000x128xf32, #tpu.memory_space<hbm>>
      tpu.enqueue_indirect_dma source(%dma_start3A_147 : memref<10000x128xf32, #tpu.memory_space<hbm>>) target(%arg13 : memref<80x128xf32, #tpu.memory_space<vmem>>) offsets(%dma_start3A_144 : memref<80xi32, #tpu.memory_space<vmem>>) semaphore(%arg18 : memref<!tpu.dma_semaphore, #tpu.memory_space<semaphore_mem>>)
      %mul3A_148 = arith.constant 80 : i32
      %mul3A_149 = arith.muli %add3A_122, %mul3A_148 : i32
      %dma_wait3A_150 = tpu.memref_slice %arg11[%mul3A_149] : memref<10000xi32, #tpu.memory_space<vmem>> -> memref<80xi32, #tpu.memory_space<vmem>>
      %dma_wait3A_151 = arith.constant 0 : i32
      %dma_wait3A_152 = arith.constant 0 : i32
      %dma_wait3A_153 = tpu.memref_slice %arg2[%dma_wait3A_151, %dma_wait3A_152] : memref<10000x128xf32, #tpu.memory_space<hbm>> -> memref<10000x128xf32, #tpu.memory_space<hbm>>
      tpu.wait_indirect_dma semaphore(%arg19 : memref<!tpu.dma_semaphore, #tpu.memory_space<semaphore_mem>>) src(%dma_wait3A_153 : memref<10000x128xf32, #tpu.memory_space<hbm>>) dst(%arg14 : memref<80x128xf32, #tpu.memory_space<vmem>>)
      "tpu.region"() ({
        %run_scoped3A_163 = tpu.sem_alloc : memref<!tpu.dma_semaphore, #tpu.memory_space<semaphore_mem>>
        %dma_start3A_164 = arith.constant 0 : i32
        %dma_start3A_165 = tpu.memref_slice %arg12[%add3A_122, %dma_start3A_164] : memref<125x80xi32, #tpu.memory_space<vmem>> -> memref<1x80xi32, #tpu.memory_space<vmem>>
        %dma_start3A_166 = tpu.memref_squeeze %dma_start3A_165 : memref<1x80xi32, #tpu.memory_space<vmem>> -> memref<80xi32, #tpu.memory_space<vmem>>
        %dma_start3A_167 = arith.constant 0 : i32
        %dma_start3A_168 = arith.constant 0 : i32
        %dma_start3A_169 = tpu.memref_slice %arg16[%dma_start3A_167, %dma_start3A_168] : memref<10000x128xf32, #tpu.memory_space<vmem_shared>> -> memref<10000x128xf32, #tpu.memory_space<vmem_shared>>
        tpu.enqueue_indirect_dma source(%arg14 : memref<80x128xf32, #tpu.memory_space<vmem>>) target(%dma_start3A_169 : memref<10000x128xf32, #tpu.memory_space<vmem_shared>>) offsets(%dma_start3A_166 : memref<80xi32, #tpu.memory_space<vmem>>) semaphore(%run_scoped3A_163 : memref<!tpu.dma_semaphore, #tpu.memory_space<semaphore_mem>>) {add = true}
        %dma_wait3A_170 = arith.constant 0 : i32
        %dma_wait3A_171 = tpu.memref_slice %arg12[%add3A_122, %dma_wait3A_170] : memref<125x80xi32, #tpu.memory_space<vmem>> -> memref<1x80xi32, #tpu.memory_space<vmem>>
        %dma_wait3A_172 = tpu.memref_squeeze %dma_wait3A_171 : memref<1x80xi32, #tpu.memory_space<vmem>> -> memref<80xi32, #tpu.memory_space<vmem>>
        %dma_wait3A_173 = arith.constant 0 : i32
        %dma_wait3A_174 = arith.constant 0 : i32
        %dma_wait3A_175 = tpu.memref_slice %arg16[%dma_wait3A_173, %dma_wait3A_174] : memref<10000x128xf32, #tpu.memory_space<vmem_shared>> -> memref<10000x128xf32, #tpu.memory_space<vmem_shared>>
        tpu.wait_indirect_dma semaphore(%run_scoped3A_163 : memref<!tpu.dma_semaphore, #tpu.memory_space<semaphore_mem>>) src(%arg14 : memref<80x128xf32, #tpu.memory_space<vmem>>) dst(%dma_wait3A_175 : memref<10000x128xf32, #tpu.memory_space<vmem_shared>>)
        tpu.yield
      }) : () -> ()
      %dma_start3A_154 = arith.constant 0 : i32
      %dma_start3A_155 = tpu.memref_slice %arg12[%add3A_122, %dma_start3A_154] : memref<125x80xi32, #tpu.memory_space<vmem>> -> memref<1x80xi32, #tpu.memory_space<vmem>>
      %dma_start3A_156 = tpu.memref_squeeze %dma_start3A_155 : memref<1x80xi32, #tpu.memory_space<vmem>> -> memref<80xi32, #tpu.memory_space<vmem>>
      %dma_start3A_157 = arith.constant 0 : i32
      %dma_start3A_158 = tpu.memref_slice %arg17[%dma_start3A_157] : memref<10000xf32, #tpu.memory_space<vmem_shared>> -> memref<10000xf32, #tpu.memory_space<vmem_shared>>
      tpu.enqueue_indirect_dma source(%arg15 : memref<80xf32, #tpu.memory_space<vmem>>) target(%dma_start3A_158 : memref<10000xf32, #tpu.memory_space<vmem_shared>>) offsets(%dma_start3A_156 : memref<80xi32, #tpu.memory_space<vmem>>) semaphore(%arg20 : memref<!tpu.dma_semaphore, #tpu.memory_space<semaphore_mem>>) {add = true}
      %gt3A = arith.constant 0 : i32
      %gt3A_159 = arith.cmpi sgt, %scan3A_118, %gt3A : i32
      %convert_element_type3A_160 = arith.extui %gt3A_159 : i1 to i32
      %cond3A_161 = arith.constant 0 : i32
      %cond3A_162 = arith.cmpi ne, %convert_element_type3A_160, %cond3A_161 : i32
      scf.if %cond3A_162 {
        %sub3A = arith.constant 2 : i32
        %sub3A_163 = arith.subi %mul3A_120, %sub3A : i32
        %dma_wait3A_164 = arith.constant 0 : i32
        %dma_wait3A_165 = tpu.memref_slice %arg12[%sub3A_163, %dma_wait3A_164] : memref<125x80xi32, #tpu.memory_space<vmem>> -> memref<1x80xi32, #tpu.memory_space<vmem>>
        %dma_wait3A_166 = tpu.memref_squeeze %dma_wait3A_165 : memref<1x80xi32, #tpu.memory_space<vmem>> -> memref<80xi32, #tpu.memory_space<vmem>>
        %dma_wait3A_167 = arith.constant 0 : i32
        %dma_wait3A_168 = tpu.memref_slice %arg17[%dma_wait3A_167] : memref<10000xf32, #tpu.memory_space<vmem_shared>> -> memref<10000xf32, #tpu.memory_space<vmem_shared>>
        tpu.wait_indirect_dma semaphore(%arg20 : memref<!tpu.dma_semaphore, #tpu.memory_space<semaphore_mem>>) src(%arg15 : memref<80xf32, #tpu.memory_space<vmem>>) dst(%dma_wait3A_168 : memref<10000xf32, #tpu.memory_space<vmem_shared>>)
        %sub3A_169 = arith.constant 1 : i32
        %sub3A_170 = arith.subi %mul3A_120, %sub3A_169 : i32
        %dma_wait3A_171 = arith.constant 0 : i32
        %dma_wait3A_172 = tpu.memref_slice %arg12[%sub3A_170, %dma_wait3A_171] : memref<125x80xi32, #tpu.memory_space<vmem>> -> memref<1x80xi32, #tpu.memory_space<vmem>>
        %dma_wait3A_173 = tpu.memref_squeeze %dma_wait3A_172 : memref<1x80xi32, #tpu.memory_space<vmem>> -> memref<80xi32, #tpu.memory_space<vmem>>
        %dma_wait3A_174 = arith.constant 0 : i32
        %dma_wait3A_175 = tpu.memref_slice %arg17[%dma_wait3A_174] : memref<10000xf32, #tpu.memory_space<vmem_shared>> -> memref<10000xf32, #tpu.memory_space<vmem_shared>>
        tpu.wait_indirect_dma semaphore(%arg20 : memref<!tpu.dma_semaphore, #tpu.memory_space<semaphore_mem>>) src(%arg15 : memref<80xf32, #tpu.memory_space<vmem>>) dst(%dma_wait3A_175 : memref<10000xf32, #tpu.memory_space<vmem_shared>>)
      } else {
      }
    }
    %scan3A_63 = arith.constant 62 : i32
    %dma_wait3A_64 = arith.constant 9920 : i32
    %dma_wait3A_65 = tpu.memref_slice %arg11[%dma_wait3A_64] : memref<10000xi32, #tpu.memory_space<vmem>> -> memref<80xi32, #tpu.memory_space<vmem>>
    %dma_wait3A_66 = arith.constant 0 : i32
    %dma_wait3A_67 = arith.constant 0 : i32
    %dma_wait3A_68 = tpu.memref_slice %arg2[%dma_wait3A_66, %dma_wait3A_67] : memref<10000x128xf32, #tpu.memory_space<hbm>> -> memref<10000x128xf32, #tpu.memory_space<hbm>>
    tpu.wait_indirect_dma semaphore(%arg18 : memref<!tpu.dma_semaphore, #tpu.memory_space<semaphore_mem>>) src(%dma_wait3A_68 : memref<10000x128xf32, #tpu.memory_space<hbm>>) dst(%arg13 : memref<80x128xf32, #tpu.memory_space<vmem>>)
    %run_scoped3A = arith.constant 124 : i32
    "tpu.region"() ({
      %run_scoped3A_118 = tpu.sem_alloc : memref<!tpu.dma_semaphore, #tpu.memory_space<semaphore_mem>>
      %dma_start3A_119 = arith.constant 0 : i32
      %dma_start3A_120 = tpu.memref_slice %arg12[%run_scoped3A, %dma_start3A_119] : memref<125x80xi32, #tpu.memory_space<vmem>> -> memref<1x80xi32, #tpu.memory_space<vmem>>
      %dma_start3A_121 = tpu.memref_squeeze %dma_start3A_120 : memref<1x80xi32, #tpu.memory_space<vmem>> -> memref<80xi32, #tpu.memory_space<vmem>>
      %dma_start3A_122 = arith.constant 0 : i32
      %dma_start3A_123 = arith.constant 0 : i32
      %dma_start3A_124 = tpu.memref_slice %arg16[%dma_start3A_122, %dma_start3A_123] : memref<10000x128xf32, #tpu.memory_space<vmem_shared>> -> memref<10000x128xf32, #tpu.memory_space<vmem_shared>>
      tpu.enqueue_indirect_dma source(%arg13 : memref<80x128xf32, #tpu.memory_space<vmem>>) target(%dma_start3A_124 : memref<10000x128xf32, #tpu.memory_space<vmem_shared>>) offsets(%dma_start3A_121 : memref<80xi32, #tpu.memory_space<vmem>>) semaphore(%run_scoped3A_118 : memref<!tpu.dma_semaphore, #tpu.memory_space<semaphore_mem>>) {add = true}
      %dma_wait3A_125 = arith.constant 0 : i32
      %dma_wait3A_126 = tpu.memref_slice %arg12[%run_scoped3A, %dma_wait3A_125] : memref<125x80xi32, #tpu.memory_space<vmem>> -> memref<1x80xi32, #tpu.memory_space<vmem>>
      %dma_wait3A_127 = tpu.memref_squeeze %dma_wait3A_126 : memref<1x80xi32, #tpu.memory_space<vmem>> -> memref<80xi32, #tpu.memory_space<vmem>>
      %dma_wait3A_128 = arith.constant 0 : i32
      %dma_wait3A_129 = arith.constant 0 : i32
      %dma_wait3A_130 = tpu.memref_slice %arg16[%dma_wait3A_128, %dma_wait3A_129] : memref<10000x128xf32, #tpu.memory_space<vmem_shared>> -> memref<10000x128xf32, #tpu.memory_space<vmem_shared>>
      tpu.wait_indirect_dma semaphore(%run_scoped3A_118 : memref<!tpu.dma_semaphore, #tpu.memory_space<semaphore_mem>>) src(%arg13 : memref<80x128xf32, #tpu.memory_space<vmem>>) dst(%dma_wait3A_130 : memref<10000x128xf32, #tpu.memory_space<vmem_shared>>)
      tpu.yield
    }) : () -> ()
    %dma_start3A_69 = arith.constant 124 : i32
    %dma_start3A_70 = arith.constant 0 : i32
    %dma_start3A_71 = tpu.memref_slice %arg12[%dma_start3A_69, %dma_start3A_70] : memref<125x80xi32, #tpu.memory_space<vmem>> -> memref<1x80xi32, #tpu.memory_space<vmem>>
    %dma_start3A_72 = tpu.memref_squeeze %dma_start3A_71 : memref<1x80xi32, #tpu.memory_space<vmem>> -> memref<80xi32, #tpu.memory_space<vmem>>
    %dma_start3A_73 = arith.constant 0 : i32
    %dma_start3A_74 = tpu.memref_slice %arg17[%dma_start3A_73] : memref<10000xf32, #tpu.memory_space<vmem_shared>> -> memref<10000xf32, #tpu.memory_space<vmem_shared>>
    tpu.enqueue_indirect_dma source(%arg15 : memref<80xf32, #tpu.memory_space<vmem>>) target(%dma_start3A_74 : memref<10000xf32, #tpu.memory_space<vmem_shared>>) offsets(%dma_start3A_72 : memref<80xi32, #tpu.memory_space<vmem>>) semaphore(%arg20 : memref<!tpu.dma_semaphore, #tpu.memory_space<semaphore_mem>>) {add = true}
    %dma_wait3A_75 = arith.constant 122 : i32
    %dma_wait3A_76 = arith.constant 0 : i32
    %dma_wait3A_77 = tpu.memref_slice %arg12[%dma_wait3A_75, %dma_wait3A_76] : memref<125x80xi32, #tpu.memory_space<vmem>> -> memref<1x80xi32, #tpu.memory_space<vmem>>
    %dma_wait3A_78 = tpu.memref_squeeze %dma_wait3A_77 : memref<1x80xi32, #tpu.memory_space<vmem>> -> memref<80xi32, #tpu.memory_space<vmem>>
    %dma_wait3A_79 = arith.constant 0 : i32
    %dma_wait3A_80 = tpu.memref_slice %arg17[%dma_wait3A_79] : memref<10000xf32, #tpu.memory_space<vmem_shared>> -> memref<10000xf32, #tpu.memory_space<vmem_shared>>
    tpu.wait_indirect_dma semaphore(%arg20 : memref<!tpu.dma_semaphore, #tpu.memory_space<semaphore_mem>>) src(%arg15 : memref<80xf32, #tpu.memory_space<vmem>>) dst(%dma_wait3A_80 : memref<10000xf32, #tpu.memory_space<vmem_shared>>)
    %dma_wait3A_81 = arith.constant 123 : i32
    %dma_wait3A_82 = arith.constant 0 : i32
    %dma_wait3A_83 = tpu.memref_slice %arg12[%dma_wait3A_81, %dma_wait3A_82] : memref<125x80xi32, #tpu.memory_space<vmem>> -> memref<1x80xi32, #tpu.memory_space<vmem>>
    %dma_wait3A_84 = tpu.memref_squeeze %dma_wait3A_83 : memref<1x80xi32, #tpu.memory_space<vmem>> -> memref<80xi32, #tpu.memory_space<vmem>>
    %dma_wait3A_85 = arith.constant 0 : i32
    %dma_wait3A_86 = tpu.memref_slice %arg17[%dma_wait3A_85] : memref<10000xf32, #tpu.memory_space<vmem_shared>> -> memref<10000xf32, #tpu.memory_space<vmem_shared>>
    tpu.wait_indirect_dma semaphore(%arg20 : memref<!tpu.dma_semaphore, #tpu.memory_space<semaphore_mem>>) src(%arg15 : memref<80xf32, #tpu.memory_space<vmem>>) dst(%dma_wait3A_86 : memref<10000xf32, #tpu.memory_space<vmem_shared>>)
    %dma_wait3A_87 = arith.constant 124 : i32
    %dma_wait3A_88 = arith.constant 0 : i32
    %dma_wait3A_89 = tpu.memref_slice %arg12[%dma_wait3A_87, %dma_wait3A_88] : memref<125x80xi32, #tpu.memory_space<vmem>> -> memref<1x80xi32, #tpu.memory_space<vmem>>
    %dma_wait3A_90 = tpu.memref_squeeze %dma_wait3A_89 : memref<1x80xi32, #tpu.memory_space<vmem>> -> memref<80xi32, #tpu.memory_space<vmem>>
    %dma_wait3A_91 = arith.constant 0 : i32
    %dma_wait3A_92 = tpu.memref_slice %arg17[%dma_wait3A_91] : memref<10000xf32, #tpu.memory_space<vmem_shared>> -> memref<10000xf32, #tpu.memory_space<vmem_shared>>
    tpu.wait_indirect_dma semaphore(%arg20 : memref<!tpu.dma_semaphore, #tpu.memory_space<semaphore_mem>>) src(%arg15 : memref<80xf32, #tpu.memory_space<vmem>>) dst(%dma_wait3A_92 : memref<10000xf32, #tpu.memory_space<vmem_shared>>)
    %barrier3A_93 = arith.constant 0 : index
    tpu.barrier barrier_id(%barrier3A_93)
    %mul3A_94 = arith.constant 624 : i32
    %mul3A_95 = arith.muli %arg1, %mul3A_94 : i32
    %mul3A_96 = arith.constant 624 : i32
    %mul3A_97 = arith.muli %arg1, %mul3A_96 : i32
    "tpu.region"() ({
      %run_scoped3A_118 = tpu.sem_alloc : memref<!tpu.dma_semaphore, #tpu.memory_space<semaphore_mem>>
      %dma_start3A_119 = arith.constant 0 : i32
      %dma_start3A_120 = tpu.memref_slice %arg8[%arg0, %mul3A_97, %dma_start3A_119] : memref<2x10000x128xf32, #tpu.memory_space<hbm>> -> memref<1x624x128xf32, #tpu.memory_space<hbm>>
      %dma_start3A_121 = tpu.memref_squeeze %dma_start3A_120 : memref<1x624x128xf32, #tpu.memory_space<hbm>> -> memref<624x128xf32, #tpu.memory_space<hbm>>
      %dma_start3A_122 = arith.constant 0 : i32
      %dma_start3A_123 = tpu.memref_slice %arg16[%mul3A_95, %dma_start3A_122] : memref<10000x128xf32, #tpu.memory_space<vmem_shared>> -> memref<624x128xf32, #tpu.memory_space<vmem_shared>>
      tpu.enqueue_dma source(%dma_start3A_123 : memref<624x128xf32, #tpu.memory_space<vmem_shared>>) target(%dma_start3A_121 : memref<624x128xf32, #tpu.memory_space<hbm>>) target_semaphore(%run_scoped3A_118 : memref<!tpu.dma_semaphore, #tpu.memory_space<semaphore_mem>>)
      %dma_wait3A_124 = arith.constant 0 : i32
      %dma_wait3A_125 = tpu.memref_slice %arg8[%arg0, %mul3A_97, %dma_wait3A_124] : memref<2x10000x128xf32, #tpu.memory_space<hbm>> -> memref<1x624x128xf32, #tpu.memory_space<hbm>>
      %dma_wait3A_126 = tpu.memref_squeeze %dma_wait3A_125 : memref<1x624x128xf32, #tpu.memory_space<hbm>> -> memref<624x128xf32, #tpu.memory_space<hbm>>
      %dma_wait3A_127 = arith.constant 0 : i32
      %dma_wait3A_128 = tpu.memref_slice %arg16[%mul3A_95, %dma_wait3A_127] : memref<10000x128xf32, #tpu.memory_space<vmem_shared>> -> memref<624x128xf32, #tpu.memory_space<vmem_shared>>
      tpu.wait_dma2 semaphore(%run_scoped3A_118 : memref<!tpu.dma_semaphore, #tpu.memory_space<semaphore_mem>>) src(%dma_wait3A_128 : memref<624x128xf32, #tpu.memory_space<vmem_shared>>) dst(%dma_wait3A_126 : memref<624x128xf32, #tpu.memory_space<hbm>>)
      tpu.yield
    }) : () -> ()
    %eq3A_98 = arith.constant 15 : i32
    %eq3A_99 = arith.cmpi eq, %arg1, %eq3A_98 : i32
    %convert_element_type3A_100 = arith.extui %eq3A_99 : i1 to i32
    %cond3A_101 = arith.constant 0 : i32
    %cond3A_102 = arith.cmpi ne, %convert_element_type3A_100, %cond3A_101 : i32
    scf.if %cond3A_102 {
      "tpu.region"() ({
        %run_scoped3A_118 = tpu.sem_alloc : memref<!tpu.dma_semaphore, #tpu.memory_space<semaphore_mem>>
        %dma_start3A_119 = arith.constant 9984 : i32
        %dma_start3A_120 = arith.constant 0 : i32
        %dma_start3A_121 = tpu.memref_slice %arg8[%arg0, %dma_start3A_119, %dma_start3A_120] : memref<2x10000x128xf32, #tpu.memory_space<hbm>> -> memref<1x16x128xf32, #tpu.memory_space<hbm>>
        %dma_start3A_122 = tpu.memref_squeeze %dma_start3A_121 : memref<1x16x128xf32, #tpu.memory_space<hbm>> -> memref<16x128xf32, #tpu.memory_space<hbm>>
        %dma_start3A_123 = arith.constant 9984 : i32
        %dma_start3A_124 = arith.constant 0 : i32
        %dma_start3A_125 = tpu.memref_slice %arg16[%dma_start3A_123, %dma_start3A_124] : memref<10000x128xf32, #tpu.memory_space<vmem_shared>> -> memref<16x128xf32, #tpu.memory_space<vmem_shared>>
        tpu.enqueue_dma source(%dma_start3A_125 : memref<16x128xf32, #tpu.memory_space<vmem_shared>>) target(%dma_start3A_122 : memref<16x128xf32, #tpu.memory_space<hbm>>) target_semaphore(%run_scoped3A_118 : memref<!tpu.dma_semaphore, #tpu.memory_space<semaphore_mem>>)
        %dma_wait3A_126 = arith.constant 9984 : i32
        %dma_wait3A_127 = arith.constant 0 : i32
        %dma_wait3A_128 = tpu.memref_slice %arg8[%arg0, %dma_wait3A_126, %dma_wait3A_127] : memref<2x10000x128xf32, #tpu.memory_space<hbm>> -> memref<1x16x128xf32, #tpu.memory_space<hbm>>
        %dma_wait3A_129 = tpu.memref_squeeze %dma_wait3A_128 : memref<1x16x128xf32, #tpu.memory_space<hbm>> -> memref<16x128xf32, #tpu.memory_space<hbm>>
        %dma_wait3A_130 = arith.constant 9984 : i32
        %dma_wait3A_131 = arith.constant 0 : i32
        %dma_wait3A_132 = tpu.memref_slice %arg16[%dma_wait3A_130, %dma_wait3A_131] : memref<10000x128xf32, #tpu.memory_space<vmem_shared>> -> memref<16x128xf32, #tpu.memory_space<vmem_shared>>
        tpu.wait_dma2 semaphore(%run_scoped3A_118 : memref<!tpu.dma_semaphore, #tpu.memory_space<semaphore_mem>>) src(%dma_wait3A_132 : memref<16x128xf32, #tpu.memory_space<vmem_shared>>) dst(%dma_wait3A_129 : memref<16x128xf32, #tpu.memory_space<hbm>>)
        tpu.yield
      }) : () -> ()
    } else {
    }
    %eq3A_103 = arith.constant 0 : i32
    %eq3A_104 = arith.cmpi eq, %arg1, %eq3A_103 : i32
    %eq3A_105 = arith.constant 0 : i32
    %eq3A_106 = arith.cmpi eq, %arg0, %eq3A_105 : i32
    %and3A = arith.andi %eq3A_104, %eq3A_106 : i1
    %convert_element_type3A_107 = arith.extui %and3A : i1 to i32
    %cond3A_108 = arith.constant 0 : i32
    %cond3A_109 = arith.cmpi ne, %convert_element_type3A_107, %cond3A_108 : i32
    scf.if %cond3A_109 {
      "tpu.region"() ({
        %run_scoped3A_118 = tpu.sem_alloc : memref<!tpu.dma_semaphore, #tpu.memory_space<semaphore_mem>>
        tpu.enqueue_dma source(%arg17 : memref<10000xf32, #tpu.memory_space<vmem_shared>>) target(%arg9 : memref<10000xf32, #tpu.memory_space<hbm>>) target_semaphore(%run_scoped3A_118 : memref<!tpu.dma_semaphore, #tpu.memory_space<semaphore_mem>>)
        tpu.wait_dma2 semaphore(%run_scoped3A_118 : memref<!tpu.dma_semaphore, #tpu.memory_space<semaphore_mem>>) src(%arg17 : memref<10000xf32, #tpu.memory_space<vmem_shared>>) dst(%arg9 : memref<10000xf32, #tpu.memory_space<hbm>>)
        tpu.yield
      }) : () -> ()
    } else {
    }
    %eq3A_110 = arith.constant 0 : i32
    %eq3A_111 = arith.cmpi eq, %arg1, %eq3A_110 : i32
    %eq3A_112 = arith.constant 1 : i32
    %eq3A_113 = arith.cmpi eq, %arg0, %eq3A_112 : i32
    %and3A_114 = arith.andi %eq3A_111, %eq3A_113 : i1
    %convert_element_type3A_115 = arith.extui %and3A_114 : i1 to i32
    %cond3A_116 = arith.constant 0 : i32
    %cond3A_117 = arith.cmpi ne, %convert_element_type3A_115, %cond3A_116 : i32
    scf.if %cond3A_117 {
      "tpu.region"() ({
        %run_scoped3A_118 = tpu.sem_alloc : memref<!tpu.dma_semaphore, #tpu.memory_space<semaphore_mem>>
        tpu.enqueue_dma source(%arg17 : memref<10000xf32, #tpu.memory_space<vmem_shared>>) target(%arg10 : memref<10000xf32, #tpu.memory_space<hbm>>) target_semaphore(%run_scoped3A_118 : memref<!tpu.dma_semaphore, #tpu.memory_space<semaphore_mem>>)
        tpu.wait_dma2 semaphore(%run_scoped3A_118 : memref<!tpu.dma_semaphore, #tpu.memory_space<semaphore_mem>>) src(%arg17 : memref<10000xf32, #tpu.memory_space<vmem_shared>>) dst(%arg10 : memref<10000xf32, #tpu.memory_space<hbm>>)
        tpu.yield
      }) : () -> ()
    } else {
    }
    return
  }
}

module attributes {stable_mosaic.version = 14 : i64} {
  func.func @_mm1_body(%arg0: i32, %arg1: memref<2000x128xf32, #tpu.memory_space<vmem>>, %arg2: memref<128x128xf32, #tpu.memory_space<vmem>>, %arg3: memref<2000x128xf32, #tpu.memory_space<vmem>>) attributes {dimension_semantics = [#tpu.dimension_semantics<arbitrary>], iteration_bounds = array<i64: 5>, scalar_prefetch = 0 : i64, scratch_operands = 0 : i64, tpu.core_type = #tpu.core_type<tc>, window_params = [{transform_indices = @transform_0, window_bounds = array<i64: 2000, 128>}, {pipeline_mode = #tpu.pipeline_mode<synchronous>, transform_indices = @transform_1, window_bounds = array<i64: 128, 128>}, {transform_indices = @transform_2, window_bounds = array<i64: 2000, 128>}]} {
    %get3A = arith.constant 0 : index
    %get3A_0 = arith.constant 0 : index
    %get3A_1 = vector.load %arg1[%get3A, %get3A_0] : memref<2000x128xf32, #tpu.memory_space<vmem>>, vector<2000x128xf32>
    %get3A_2 = arith.constant 0 : index
    %get3A_3 = arith.constant 0 : index
    %get3A_4 = vector.load %arg2[%get3A_2, %get3A_3] : memref<128x128xf32, #tpu.memory_space<vmem>>, vector<128x128xf32>
    %dot_general3A = arith.constant dense<0.000000e+00> : vector<2000x128xf32>
    %dot_general3A_5 = tpu.matmul %get3A_1, %get3A_4, %dot_general3A {dimension_numbers = #tpu.dot_dimension_numbers<[1], [0], [0], [1], [0, 0, 1, 1], [], []>, precision = #tpu.contract_precision<fp32>, transpose_lhs_hint = false} : vector<2000x128xf32>, vector<128x128xf32>, vector<2000x128xf32> -> vector<2000x128xf32>
    %swap3A = arith.constant 0 : index
    %swap3A_6 = arith.constant 0 : index
    %swap3A_7 = vector.load %arg3[%swap3A, %swap3A_6] : memref<2000x128xf32, #tpu.memory_space<vmem>>, vector<2000x128xf32>
    tpu.vector_store %arg3[%swap3A, %swap3A_6], %dot_general3A_5 {strides = array<i32>} : memref<2000x128xf32, #tpu.memory_space<vmem>>, vector<2000x128xf32>,
    return
  }
  func.func @transform_0(%arg0: i32) -> (i32, i32) {
    %c0_i32 = arith.constant 0 : i32
    %c0_i32_0 = arith.constant 0 : i32
    return %arg0, %c0_i32 : i32, i32
  }
  func.func @transform_1(%arg0: i32) -> (i32, i32) {
    %c0_i32 = arith.constant 0 : i32
    %c0_i32_0 = arith.constant 0 : i32
    %c0_i32_1 = arith.constant 0 : i32
    return %c0_i32, %c0_i32_0 : i32, i32
  }
  func.func @transform_2(%arg0: i32) -> (i32, i32) {
    %c0_i32 = arith.constant 0 : i32
    %c0_i32_0 = arith.constant 0 : i32
    return %arg0, %c0_i32 : i32, i32
  }
}

module attributes {stable_mosaic.version = 14 : i64} {
  func.func @_mean_relu_mm_body(%arg0: i32, %arg1: memref<2x2000x128xf32, #tpu.memory_space<vmem>>, %arg2: memref<2000x1xf32, #tpu.memory_space<vmem>>, %arg3: memref<2000x1xf32, #tpu.memory_space<vmem>>, %arg4: memref<2000x128xf32, #tpu.memory_space<vmem>>, %arg5: memref<128x128xf32, #tpu.memory_space<vmem>>, %arg6: memref<2000x128xf32, #tpu.memory_space<vmem>>, %arg7: memref<2000x128xf32, #tpu.memory_space<vmem>>) attributes {dimension_semantics = [#tpu.dimension_semantics<arbitrary>], iteration_bounds = array<i64: 5>, scalar_prefetch = 0 : i64, scratch_operands = 0 : i64, tpu.core_type = #tpu.core_type<tc>, window_params = [{transform_indices = @transform_0, window_bounds = array<i64: 2, 2000, 128>}, {transform_indices = @transform_1, window_bounds = array<i64: 2000, 1>}, {transform_indices = @transform_2, window_bounds = array<i64: 2000, 1>}, {transform_indices = @transform_3, window_bounds = array<i64: 2000, 128>}, {pipeline_mode = #tpu.pipeline_mode<synchronous>, transform_indices = @transform_4, window_bounds = array<i64: 128, 128>}, {transform_indices = @transform_5, window_bounds = array<i64: 2000, 128>}, {transform_indices = @transform_6, window_bounds = array<i64: 2000, 128>}]} {
    %get3A = arith.constant 0 : index
    %get3A_0 = arith.constant 0 : index
    %get3A_1 = arith.constant 0 : index
    %get3A_2 = vector.load %arg1[%get3A, %get3A_0, %get3A_1] : memref<2x2000x128xf32, #tpu.memory_space<vmem>>, vector<1x2000x128xf32>
    %get3A_3 = vector.shape_cast %get3A_2 : vector<1x2000x128xf32> to vector<2000x128xf32>
    %get3A_4 = arith.constant 1 : index
    %get3A_5 = arith.constant 0 : index
    %get3A_6 = arith.constant 0 : index
    %get3A_7 = vector.load %arg1[%get3A_4, %get3A_5, %get3A_6] : memref<2x2000x128xf32, #tpu.memory_space<vmem>>, vector<1x2000x128xf32>
    %get3A_8 = vector.shape_cast %get3A_7 : vector<1x2000x128xf32> to vector<2000x128xf32>
    %add3A = arith.addf %get3A_3, %get3A_8 : vector<2000x128xf32>
    %get3A_9 = arith.constant 0 : index
    %get3A_10 = arith.constant 0 : index
    %get3A_11 = vector.load %arg2[%get3A_9, %get3A_10] : memref<2000x1xf32, #tpu.memory_space<vmem>>, vector<2000x1xf32>
    %get3A_12 = arith.constant 0 : index
    %get3A_13 = arith.constant 0 : index
    %get3A_14 = vector.load %arg3[%get3A_12, %get3A_13] : memref<2000x1xf32, #tpu.memory_space<vmem>>, vector<2000x1xf32>
    %add3A_15 = arith.addf %get3A_11, %get3A_14 : vector<2000x1xf32>
    %max3A = arith.constant 1.000000e+00 : f32
    %max3A_16 = vector.broadcast %max3A : f32 to vector<2000x1xf32>
    %max3A_17 = arith.maximumf %add3A_15, %max3A_16 : vector<2000x1xf32>
    %div3A = vector.broadcast %max3A_17 : vector<2000x1xf32> to vector<2000x128xf32>
    %div3A_18 = arith.divf %add3A, %div3A : vector<2000x128xf32>
    %get3A_19 = arith.constant 0 : index
    %get3A_20 = arith.constant 0 : index
    %get3A_21 = vector.load %arg4[%get3A_19, %get3A_20] : memref<2000x128xf32, #tpu.memory_space<vmem>>, vector<2000x128xf32>
    %add3A_22 = arith.addf %div3A_18, %get3A_21 : vector<2000x128xf32>
    %max3A_23 = arith.constant 0.000000e+00 : f32
    %max3A_24 = vector.broadcast %max3A_23 : f32 to vector<2000x128xf32>
    %max3A_25 = arith.maximumf %add3A_22, %max3A_24 : vector<2000x128xf32>
    %swap3A = arith.constant 0 : index
    %swap3A_26 = arith.constant 0 : index
    %swap3A_27 = vector.load %arg6[%swap3A, %swap3A_26] : memref<2000x128xf32, #tpu.memory_space<vmem>>, vector<2000x128xf32>
    tpu.vector_store %arg6[%swap3A, %swap3A_26], %max3A_25 {strides = array<i32>} : memref<2000x128xf32, #tpu.memory_space<vmem>>, vector<2000x128xf32>,
    %get3A_28 = arith.constant 0 : index
    %get3A_29 = arith.constant 0 : index
    %get3A_30 = vector.load %arg5[%get3A_28, %get3A_29] : memref<128x128xf32, #tpu.memory_space<vmem>>, vector<128x128xf32>
    %dot_general3A = arith.constant dense<0.000000e+00> : vector<2000x128xf32>
    %dot_general3A_31 = tpu.matmul %max3A_25, %get3A_30, %dot_general3A {dimension_numbers = #tpu.dot_dimension_numbers<[1], [0], [0], [1], [0, 0, 1, 1], [], []>, precision = #tpu.contract_precision<fp32>, transpose_lhs_hint = false} : vector<2000x128xf32>, vector<128x128xf32>, vector<2000x128xf32> -> vector<2000x128xf32>
    %swap3A_32 = arith.constant 0 : index
    %swap3A_33 = arith.constant 0 : index
    %swap3A_34 = vector.load %arg7[%swap3A_32, %swap3A_33] : memref<2000x128xf32, #tpu.memory_space<vmem>>, vector<2000x128xf32>
    tpu.vector_store %arg7[%swap3A_32, %swap3A_33], %dot_general3A_31 {strides = array<i32>} : memref<2000x128xf32, #tpu.memory_space<vmem>>, vector<2000x128xf32>,
    return
  }
  func.func @transform_0(%arg0: i32) -> (i32, i32, i32) {
    %c0_i32 = arith.constant 0 : i32
    %c0_i32_0 = arith.constant 0 : i32
    %c0_i32_1 = arith.constant 0 : i32
    return %c0_i32, %arg0, %c0_i32_0 : i32, i32, i32
  }
  func.func @transform_1(%arg0: i32) -> (i32, i32) {
    %c0_i32 = arith.constant 0 : i32
    %c0_i32_0 = arith.constant 0 : i32
    return %arg0, %c0_i32 : i32, i32
  }
  func.func @transform_2(%arg0: i32) -> (i32, i32) {
    %c0_i32 = arith.constant 0 : i32
    %c0_i32_0 = arith.constant 0 : i32
    return %arg0, %c0_i32 : i32, i32
  }
  func.func @transform_3(%arg0: i32) -> (i32, i32) {
    %c0_i32 = arith.constant 0 : i32
    %c0_i32_0 = arith.constant 0 : i32
    return %arg0, %c0_i32 : i32, i32
  }
  func.func @transform_4(%arg0: i32) -> (i32, i32) {
    %c0_i32 = arith.constant 0 : i32
    %c0_i32_0 = arith.constant 0 : i32
    %c0_i32_1 = arith.constant 0 : i32
    return %c0_i32, %c0_i32_0 : i32, i32
  }
  func.func @transform_5(%arg0: i32) -> (i32, i32) {
    %c0_i32 = arith.constant 0 : i32
    %c0_i32_0 = arith.constant 0 : i32
    return %arg0, %c0_i32 : i32, i32
  }
  func.func @transform_6(%arg0: i32) -> (i32, i32) {
    %c0_i32 = arith.constant 0 : i32
    %c0_i32_0 = arith.constant 0 : i32
    return %arg0, %c0_i32 : i32, i32
  }
}

module attributes {stable_mosaic.version = 14 : i64} {
  func.func @_mean_lsm_body(%arg0: i32, %arg1: memref<2x2000x128xf32, #tpu.memory_space<vmem>>, %arg2: memref<2000x1xf32, #tpu.memory_space<vmem>>, %arg3: memref<2000x1xf32, #tpu.memory_space<vmem>>, %arg4: memref<2000x128xf32, #tpu.memory_space<vmem>>, %arg5: memref<2000x128xf32, #tpu.memory_space<vmem>>) attributes {dimension_semantics = [#tpu.dimension_semantics<arbitrary>], iteration_bounds = array<i64: 5>, scalar_prefetch = 0 : i64, scratch_operands = 0 : i64, tpu.core_type = #tpu.core_type<tc>, window_params = [{transform_indices = @transform_0, window_bounds = array<i64: 2, 2000, 128>}, {transform_indices = @transform_1, window_bounds = array<i64: 2000, 1>}, {transform_indices = @transform_2, window_bounds = array<i64: 2000, 1>}, {transform_indices = @transform_3, window_bounds = array<i64: 2000, 128>}, {transform_indices = @transform_4, window_bounds = array<i64: 2000, 128>}]} {
    %get3A = arith.constant 0 : index
    %get3A_0 = arith.constant 0 : index
    %get3A_1 = arith.constant 0 : index
    %get3A_2 = vector.load %arg1[%get3A, %get3A_0, %get3A_1] : memref<2x2000x128xf32, #tpu.memory_space<vmem>>, vector<1x2000x128xf32>
    %get3A_3 = vector.shape_cast %get3A_2 : vector<1x2000x128xf32> to vector<2000x128xf32>
    %get3A_4 = arith.constant 1 : index
    %get3A_5 = arith.constant 0 : index
    %get3A_6 = arith.constant 0 : index
    %get3A_7 = vector.load %arg1[%get3A_4, %get3A_5, %get3A_6] : memref<2x2000x128xf32, #tpu.memory_space<vmem>>, vector<1x2000x128xf32>
    %get3A_8 = vector.shape_cast %get3A_7 : vector<1x2000x128xf32> to vector<2000x128xf32>
    %add3A = arith.addf %get3A_3, %get3A_8 : vector<2000x128xf32>
    %get3A_9 = arith.constant 0 : index
    %get3A_10 = arith.constant 0 : index
    %get3A_11 = vector.load %arg2[%get3A_9, %get3A_10] : memref<2000x1xf32, #tpu.memory_space<vmem>>, vector<2000x1xf32>
    %get3A_12 = arith.constant 0 : index
    %get3A_13 = arith.constant 0 : index
    %get3A_14 = vector.load %arg3[%get3A_12, %get3A_13] : memref<2000x1xf32, #tpu.memory_space<vmem>>, vector<2000x1xf32>
    %add3A_15 = arith.addf %get3A_11, %get3A_14 : vector<2000x1xf32>
    %max3A = arith.constant 1.000000e+00 : f32
    %max3A_16 = vector.broadcast %max3A : f32 to vector<2000x1xf32>
    %max3A_17 = arith.maximumf %add3A_15, %max3A_16 : vector<2000x1xf32>
    %div3A = vector.broadcast %max3A_17 : vector<2000x1xf32> to vector<2000x128xf32>
    %div3A_18 = arith.divf %add3A, %div3A : vector<2000x128xf32>
    %get3A_19 = arith.constant 0 : index
    %get3A_20 = arith.constant 0 : index
    %get3A_21 = vector.load %arg4[%get3A_19, %get3A_20] : memref<2000x128xf32, #tpu.memory_space<vmem>>, vector<2000x128xf32>
    %add3A_22 = arith.addf %div3A_18, %get3A_21 : vector<2000x128xf32>
    %reduce_max3A = arith.constant dense<0xFF800000> : vector<2000xf32>
    %reduce_max3A_23 = vector.multi_reduction <maximumf>, %add3A_22, %reduce_max3A [1] : vector<2000x128xf32> to vector<2000xf32>
    %broadcast_in_dim3A = vector.shape_cast %reduce_max3A_23 : vector<2000xf32> to vector<2000x1xf32>
    %sub3A = vector.broadcast %broadcast_in_dim3A : vector<2000x1xf32> to vector<2000x128xf32>
    %sub3A_24 = arith.subf %add3A_22, %sub3A : vector<2000x128xf32>
    %exp3A = math.exp %sub3A_24 : vector<2000x128xf32>
    %reduce_sum3A = arith.constant dense<0.000000e+00> : vector<2000xf32>
    %reduce_sum3A_25 = vector.multi_reduction <add>, %exp3A, %reduce_sum3A [1] : vector<2000x128xf32> to vector<2000xf32>
    %broadcast_in_dim3A_26 = vector.shape_cast %reduce_sum3A_25 : vector<2000xf32> to vector<2000x1xf32>
    %log3A = math.log %broadcast_in_dim3A_26 : vector<2000x1xf32>
    %sub3A_27 = vector.broadcast %log3A : vector<2000x1xf32> to vector<2000x128xf32>
    %sub3A_28 = arith.subf %sub3A_24, %sub3A_27 : vector<2000x128xf32>
    %swap3A = arith.constant 0 : index
    %swap3A_29 = arith.constant 0 : index
    %swap3A_30 = vector.load %arg5[%swap3A, %swap3A_29] : memref<2000x128xf32, #tpu.memory_space<vmem>>, vector<2000x128xf32>
    tpu.vector_store %arg5[%swap3A, %swap3A_29], %sub3A_28 {strides = array<i32>} : memref<2000x128xf32, #tpu.memory_space<vmem>>, vector<2000x128xf32>,
    return
  }
  func.func @transform_0(%arg0: i32) -> (i32, i32, i32) {
    %c0_i32 = arith.constant 0 : i32
    %c0_i32_0 = arith.constant 0 : i32
    %c0_i32_1 = arith.constant 0 : i32
    return %c0_i32, %arg0, %c0_i32_0 : i32, i32, i32
  }
  func.func @transform_1(%arg0: i32) -> (i32, i32) {
    %c0_i32 = arith.constant 0 : i32
    %c0_i32_0 = arith.constant 0 : i32
    return %arg0, %c0_i32 : i32, i32
  }
  func.func @transform_2(%arg0: i32) -> (i32, i32) {
    %c0_i32 = arith.constant 0 : i32
    %c0_i32_0 = arith.constant 0 : i32
    return %arg0, %c0_i32 : i32, i32
  }
  func.func @transform_3(%arg0: i32) -> (i32, i32) {
    %c0_i32 = arith.constant 0 : i32
    %c0_i32_0 = arith.constant 0 : i32
    return %arg0, %c0_i32 : i32, i32
  }
  func.func @transform_4(%arg0: i32) -> (i32, i32) {
    %c0_i32 = arith.constant 0 : i32
    %c0_i32_0 = arith.constant 0 : i32
    return %arg0, %c0_i32 : i32, i32
  }
}

</mosaic_0001>

<sc_bundles>
// kernel: kernel.12.cloned.1.call-start
scs
__scs_entry_jumppad:
0x0: {  	(pc) =	sbr.rel $0x88, $3  }
0x1: {  	(tag) =	ssettag $0x0;
	lr =	simm.s32 $0x1  }
0x2: {  	[smem:$0x3F9A] =	sst lr;
	_ =	strace $0xD0000000  }
0x3: {  	_ = 	snop  }
0x4: {  	_ = 	snop  }
0x5: {  	_ = 	snop  }
0x6: {  	_ = 	snop  }
0x7: {  	_ = 	snop  }
__scs_overlays_trampoline_lowered:
0x8: {  	[smem:$0x3FA9] =	sst s0  }
0x9: {  	[smem:$0x3FAA] =	sst s1  }
0xa: {  	[smem:$0x3FAB] =	sst s2  }
0xb: {  	[smem:$0x3FAC] =	sst s3  }
0xc: {  	[smem:$0x3FAD] =	sst s4  }
0xd: {  	[smem:$0x3FAE] =	sst s5  }
0xe: {  	[smem:$0x3FAF] =	sst s6  }
0xf: {  	[smem:$0x3FB0] =	sst s7  }
0x10: {  	[smem:$0x3FB1] =	sst s8  }
0x11: {  	[smem:$0x3FB2] =	sst s9;
	s0 =	simm.s32 @!p0 $0x0  }
0x12: {  	s1 =	sld [smem:$0x3F98];
	s0 =	simm.s32 @p0 $0x1  }
0x13: {  	[smem:$0x3FB3] =	sst s0;
	s0 =	simm.s32 @!p1 $0x0  }
0x14: {  	s2 =	sld [smem:$0x3F97];
	s0 =	simm.s32 @p1 $0x1  }
0x15: {  	[smem:$0x3FB4] =	sst s0;
	s0 =	simm.s32 @!p2 $0x0  }
0x16: {  	s3 =	sld [smem:$0x3FDB];
	s0 =	simm.s32 @p2 $0x1  }
0x17: {  	s4 =	simm.s32 $0x1BF5;
	[smem:$0x3FB6] =	sst s0  }
0x18: {  	s0 =	sld [smem:$0x3F99];
	_ =	swait.ge [sflag:s4], $0x0  }
0x19: {  	s7 =	sld [smem:$0x3F9A]  }
0x1a: {  	s8 =	sadd.s32 $0xFFFFE003, lr  }
0x1b: {  	s9 =	sadd.s32 $0xFFFFFEF7, lr;
	s5 =	simm.s32 $0xFFFFFFFF;
	p2 =	slt.u32 s8, $0xFFFFF086  }
0x1c: {  	p1 =	slt.u32 s9, $0xF7A;
	s5 =	simm.s32 @!p2 $0x0  }
0x1d: {  	s5 =	simm.s32 @p1 $0x1;
	p0 =	seq.s32 s7, s2  }
0x1e: {  	s7 =	smul.u32 @!p0 $0xF7A, s2;
	p2 =	seq.s32 @!p0 s5, $0x0  }
0x1f: {  	s9 =	smul.u32 $0xF7A, s1;
	s8 =	simm.s32 @!p0 $0x1BF5;
	p2 =	por !p2, p0  }
0x20: {  	[sflag:s8] =	ssyncset.s32 @!p0 $0xFFFFF086;
	s6 =	sadd.s32 @!p0 s3, s7;
	s7 =	simm.s32 @!p0 $0x108  }
0x21: {  	s3 =	sadd.s32 s3, s9;
	s6 =	sadd.s32 @!p0 $0x88, s6;
	s7 =	simm.s32 @p2 $0x1082  }
0x22: {  	[simem:s7], [sflag:s8] =	dma.local @!p0 [hbm:s6], $0xF7A  }
0x23: {  	s9 =	sor.u32 $0xD0000000, s2;
	s6 =	simm.s32 $0x108;
	_ =	swait.ge @!p0 [sflag:s8], $0x0  }
0x24: {  	s3 =	sadd.s32 $0x88, s3;
	s6 =	simm.s32 @!p1 $0x1082;
	[sflag:s4] =	ssyncset.s32 $0xFFFFF086  }
0x25: {  	[simem:s6], [sflag:s4] =	dma.local [hbm:s3], $0xF7A  }
0x26: {  	[smem:$0x3F9A] =	sst s1;
	(tag) =	ssettag s2;
	_ =	strace s9  }
0x27: {  	s1 =	sld [smem:$0x3FAA]  }
0x28: {  	s2 =	sld [smem:$0x3FAB]  }
0x29: {  	s4 =	sld [smem:$0x3FAD]  }
0x2a: {  	p0 =	seq.s32 s5, $0x0;
	s5 =	sld [smem:$0x3FAE]  }
0x2b: {  	s6 =	sld [smem:$0x3FAF]  }
0x2c: {  	s7 =	sld [smem:$0x3FB0]  }
0x2d: {  	s3 =	simm.s32 $0x108;
	s8 =	sld [smem:$0x3FB1]  }
0x2e: {  	s3 =	simm.s32 @!p0 $0x1082;
	s9 =	sld [smem:$0x3FB2]  }
0x2f: {  	lr =	sadd.s32 s0, s3;
	s0 =	sld [smem:$0x3FA9]  }
0x30: {  	s3 =	sld [smem:$0x3FAC]  }
0x31: {  	[smem:$0x3FB5] =	sst s10  }
0x32: {  	s10 =	sld [smem:$0x3FB3];
	_ =	sdelay $0x3  }
0x33: {  	p0 =	seq.s32 s10, $0x1;
	s10 =	sld [smem:$0x3FB5];
	_ =	sdelay $0x3  }
0x34: {  	[smem:$0x3FB5] =	sst s10  }
0x35: {  	s10 =	sld [smem:$0x3FB4];
	_ =	sdelay $0x3  }
0x36: {  	p1 =	seq.s32 s10, $0x1;
	s10 =	sld [smem:$0x3FB5];
	_ =	sdelay $0x3  }
0x37: {  	[smem:$0x3FB5] =	sst s10  }
0x38: {  	s10 =	sld [smem:$0x3FB6]  }
0x39: {  	_ = 	snop;
	(pc) =	sbr.ind lr, $3  }
0x3a: {  	_ = 	snop  }
0x3b: {  	_ = 	snop  }
0x3c: {  	p2 =	seq.s32 s10, $0x1;
	s10 =	sld [smem:$0x3FB5]  }
0x3d: {  	_ =	shalt  }
0x3e: {  	_ =	shalt  }
0x3f: {  	_ =	shalt  }
0x40: {  	_ =	shalt  }
0x41: {  	_ =	shalt  }
0x42: {  	_ =	shalt  }
0x43: {  	_ =	shalt  }
0x44: {  	_ =	shalt  }
0x45: {  	_ =	shalt  }
0x46: {  	_ =	shalt  }
0x47: {  	_ =	shalt  }
0x48: {  	_ =	shalt  }
0x49: {  	_ =	shalt  }
0x4a: {  	_ =	shalt  }
0x4b: {  	_ =	shalt  }
0x4c: {  	_ =	shalt  }
0x4d: {  	_ =	shalt  }
0x4e: {  	_ =	shalt  }
0x4f: {  	_ =	shalt  }
0x50: {  	_ =	shalt  }
0x51: {  	_ =	shalt  }
0x52: {  	_ =	shalt  }
0x53: {  	_ =	shalt  }
0x54: {  	_ =	shalt  }
0x55: {  	_ =	shalt  }
0x56: {  	_ =	shalt  }
0x57: {  	_ =	shalt  }
0x58: {  	_ =	shalt  }
0x59: {  	_ =	shalt  }
0x5a: {  	_ =	shalt  }
0x5b: {  	_ =	shalt  }
0x5c: {  	_ =	shalt  }
0x5d: {  	_ =	shalt  }
0x5e: {  	_ =	shalt  }
0x5f: {  	_ =	shalt  }
0x60: {  	_ =	shalt  }
0x61: {  	_ =	shalt  }
0x62: {  	_ =	shalt  }
0x63: {  	_ =	shalt  }
0x64: {  	_ =	shalt  }
0x65: {  	_ =	shalt  }
0x66: {  	_ =	shalt  }
0x67: {  	_ =	shalt  }
0x68: {  	_ =	shalt  }
0x69: {  	_ =	shalt  }
0x6a: {  	_ =	shalt  }
0x6b: {  	_ =	shalt  }
0x6c: {  	_ =	shalt  }
0x6d: {  	_ =	shalt  }
0x6e: {  	_ =	shalt  }
0x6f: {  	_ =	shalt  }
0x70: {  	_ =	shalt  }
0x71: {  	_ =	shalt  }
0x72: {  	_ =	shalt  }
0x73: {  	_ =	shalt  }
0x74: {  	_ =	shalt  }
0x75: {  	_ =	shalt  }
0x76: {  	_ =	shalt  }
0x77: {  	_ =	shalt  }
0x78: {  	_ =	shalt  }
0x79: {  	_ =	shalt  }
0x7a: {  	_ =	shalt  }
0x7b: {  	_ =	shalt  }
0x7c: {  	_ =	shalt  }
0x7d: {  	_ =	shalt  }
0x7e: {  	_ =	shalt  }
0x7f: {  	_ =	shalt  }
0x80: {  	_ =	shalt  }
0x81: {  	_ =	shalt  }
0x82: {  	_ =	shalt  }
0x83: {  	_ =	shalt  }
0x84: {  	_ =	shalt  }
0x85: {  	_ =	shalt  }
0x86: {  	_ =	shalt  }
0x87: {  	_ =	shalt  }
.Lfunc_end0:
.L_simem_size_0:
called_computation.1_lowered:
.L_overlay_start_0:
0x88: {  	s2 =	sld [smem:$0x3FD9]  }
0x89: {  	s3 =	sld [smem:$0x3FFE];
	_ =	sdelay $0x1  }
0x8a: {  	s1 =	srdreg.scid  }
0x8b: {  	s0 =	sand.u32 $0x1, s1  }
0x8c: {  	s17 =	sshll.u32 s0, $0xA;
	s2 =	sadd.s32 s3, s2  }
0x8d: {  	s2 =	sadd.s32 s2, s17  }
0x8e: {  	[smem:$0x3FC1] =	sst s2  }
0x8f: {  	_ = 	snop  }
0x90: {  	s2 =	sld [smem:$0x3FD0];
	(tm) =	ssettm $0x1  }
0x91: {  	s18 =	sld [smem:$0x3FFB];
	_ =	sdelay $0x3  }
0x92: {  	_ =	strace s18  }
0x93: {  	s3 =	sld [smem:$0x3FFC];
	_ =	sdelay $0x3  }
0x94: {  	_ =	strace s3  }
0x95: {  	s3 =	sld [smem:$0x3FFD];
	_ =	sdelay $0x3  }
0x96: {  	_ =	strace s3  }
0x97: {  	_ =	strace $0x8FFFFFFF  }
0x98: {  	s19 =	sld [smem:$0x3FDB];
	_ =	sdelay $0x1  }
0x99: {  	s4 =	simm.s32 $_scs_section_size  }
0x9a: {  	s5 =	simm.s32 $_size__tile_overlayer_lowered;
	s6 =	simm.s32 $_tile_overlayer_lowered  }
0x9b: {  	s22 =	simm.s32 $0x1BFF;
	s21 =	sshll.u32 s6, $0x1;
	s3 =	sadd.s32 s4, s19  }
0x9c: {  	s7 =	simm.s32 $0x0;
	s20 =	sshll.u32 s5, $0x1;
	s5 =	sadd.s32 s21, s3  }
0x9d: {  	[timem:s7], [sflag:s22] =	dma.local [hbm:s5], s20  }
0x9e: {  	_ =	swait.ge [sflag:s22], s20  }
0x9f: {  	s4 =	ssub.s32 $0x0, s20;
	[sflag:s22] =	ssyncset.done $0x0  }
0xa0: {  	[sflag:s22] =	ssyncadd.s32 s4;
	_ =	sdelay $0x1  }
0xa1: {  	s23 =	simm.s32 $0x1B8B  }
0xa2: {  	_ =	swait.ge [sflag:s23], $0x1  }
0xa3: {  	[sflag:s23] =	ssyncset.done $0x0  }
0xa4: {  	s25 =	simm.s32 $0x1B8E;
	s24 =	sld [smem:$0x3FFE];
	[sflag:s23] =	ssyncadd.s32 $0xFFFFFFFF  }
0xa5: {  	s26 =	simm.s32 $execute0_lowered;
	[smem:$0x3FD2] =	sst s25  }
0xa6: {  	s5 =	sshll.u32 s26, $0x1;
	_ =	strace $0x80000049;
	[dreg:$0x1] =	wrdreg $0xFFFFFFFF  }
0xa7: {  	s28 =	simm.s32 $_size_execute0_lowered;
	s3 =	sadd.s32 s3, s5;
	[dreg:$0x0] =	wrdreg $0x0  }
0xa8: {  	s5 =	sshll.u32 s28, $0x1;
	[dreg:$0x2] =	wrdreg s3  }
0xa9: {  	[dreg:$0x3] =	wrdreg s5  }
0xaa: {  	[dreg:$0x4] =	wrdreg $0xC0  }
0xab: {  	_ =	task [dreg:s7], $0x5FFFF  }
0xac: {  	[dreg:$0x1] =	wrdreg $0xFFFFFFFF  }
0xad: {  	[dreg:$0x0] =	wrdreg $0x60  }
0xae: {  	[dreg:$0x2] =	wrdreg s2  }
0xaf: {  	[dreg:$0x3] =	wrdreg s24  }
0xb0: {  	[dreg:$0x4] =	wrdreg $0xB8000  }
0xb1: {  	[dreg:$0x5] =	wrdreg $0x1F0800  }
0xb2: {  	[dreg:$0x6] =	wrdreg $0x9  }
0xb3: {  	_ =	task.clear_ibuf [dreg:s7], $0x7FFFF;
	_ =	strace $0x90000049  }
0xb4: {  	s29 =	simm.s32 $0x9;
	_ =	strace $0x8000004B  }
0xb5: {  	_ =	swait.ge [sflag:s29], $0x1  }
0xb6: {  	[sflag:s29] =	ssyncadd.s32 $0xFFFFFFFF  }
0xb7: {  	_ =	strace $0x9000004B  }
0xb8: {  	_ =	sfence  }
0xb9: {  	s30 =	sld [smem:$0x0];
	_ =	sdelay $0x2  }
0xba: {  	s31 =	sshll.u32 s1, $0xD;
	s1 =	sshrl.u32 s1, $0x2  }
0xbb: {  	s3 =	sand.u32 $0x4000, s31;
	s1 =	sadd.s32 s1, s30  }
0xbc: {  	s0 =	sor.u32 s3, s0;
	s1 =	sshll.u32 s1, $0x11  }
0xbd: {  	s0 =	sor.u32 s1, s0  }
0xbe: {  	s0 =	sadd.s32 $0x8F2B, s0  }
0xbf: {  	[sflag:s0] =	ssyncadd.remote.s32 $0x1  }
0xc0: {  	_ =	sfence.sel $0xFFFF  }
0xc1: {  	[dreg:$0x0] =	wrdreg $0xFFFFFFFF;
	(pc) =	sbr.abs _section_cstart, $3  }
0xc2: {  	[dreg:$0x1] =	wrdreg $0xFFFFFFFF  }
0xc3: {  	_ =	task.clear_ibuf [dreg:s7], $0x2FFFF;
	_ =	strace $0x9FFFFFFF  }
0xc4: {  	(tm) =	ssettm $0x7FFFFFFF  }
0xc5: {  	_ =	shalt  }
tec
execute0_lowered:
.L_overlay_start_1:
0x0: {  	(tag) =	ssettag $0x1  }
0x1: {  	s0 =	rddreg [dreg:$0x0]  }
0x2: {  	s2 =	rddreg [dreg:$0x1]  }
0x3: {  	s1 =	srdreg.scid;
	s3 =	rddreg [dreg:$0x2]  }
0x4: {  	s12 =	stileid.u32;
	s4 =	rddreg [dreg:$0x3];
	s28 =	simm.s32 $0x1  }
0x5: {  	s29 =	simm.s32 $0x5;
	s31 =	simm.s32 $0x2;
	s30 =	simm.s32 $0x6580  }
0x6: {  	p4 =	por $0x0, $0x0;
	s1 =	sand.u32 $0x1, s1;
	s9 =	sadd.s32 $0x1DC00, s2  }
0x7: {  	s16 =	sadd.s32 $0x1E200, s2;
	s17 =	sadd.s32 $0x1E400, s2;
	s13 =	smul.u32 $0x4E000, s12  }
0x8: {  	s11 =	sadd.s32 $0x1600, s2;
	s20 =	smul.u32 $0x13800, s12;
	p1 =	seq.s32 s12, $0x0  }
0x9: {  	p5 =	sne.s32 s12, $0xF;
	s5 =	sshll.u32 s1, $0x4;
	s10 =	ssub.s32 $0x2, s1  }
0xa: {  	s15 =	smul.u32 $0x138800, s1;
	s26 =	sor.u32 s1, s12;
	p0 =	seq.s32 s1, $0x1  }
0xb: {  	s6 =	sor.u32 s12, s5;
	s5 =	simm.s32 $0x0;
	s18 =	sshrl.u32 s10, $0x1  }
0xc: {  	s22 =	sshrl.u32 s13, $0x2;
	s13 =	sshll.u32 s12, $0x6;
	s1 =	simm.s32 @!p0 $0x0  }
0xd: {  	p6 =	sne.s32 s26, $0x0;
	s26 =	simm.s32 $0x8F80;
	s7 =	smul.u32 $0x4E2, s6  }
0xe: {  	[smem:$0x7FF] =	sst s5;
	s6 =	sshll.u32 s6, $0xB;
	s19 =	ssub.s32 s10, s18  }
0xf: {  	s23 =	sadd.s32 s20, s15;
	s14 =	sor.u32 $0x1C04, s13;
	s24 =	sshrl.u32 s15, $0x3  }
0x10: {  	s15 =	sadd.s32 $0x138000, s3;
	_ =	strace $0x8000004A;
	[dreg:$0x5] =	wrdreg s9  }
0x11: {  	s1 =	simm.s32 @p0 $0x1;
	p0 =	sne.s32 @!p1 s12, $0xF;
	[dreg:$0x6] =	wrdreg s16  }
0x12: {  	s8 =	sadd.s32 s6, s2;
	s6 =	sadd.s32 $0x1B400, s2;
	[dreg:$0x7] =	wrdreg s11  }
0x13: {  	s25 =	sadd.s32 s17, s24;
	[smem:$0x7FB] =	sst s1;
	s18 =	smax.u32 s19, $0x1  }
0x14: {  	s19 =	simm.s32 $0x2780;
	p2 =	por p0, p1;
	p0 =	por !p0, p1  }
0x15: {  	s24 =	simm.s32 $0x50;
	s7 =	sadd.s32 s7, s2;
	s2 =	sadd.s32 $0x1C00, s2  }
0x16: {  	s21 =	sadd.s32 $0x9E200, s8;
	s8 =	sshrl.u32 s23, $0x3;
	s1 =	simm.s32 @!p2 $0x0  }
0x17: {  	s23 =	simm.s32 $0x4;
	[dreg:$0x8] =	wrdreg s2;
	s7 =	sadd.s32 $0x94400, s7  }
0x18: {  	[dreg:$0xa] =	wrdreg s21;
	s8 =	sadd.s32 s17, s8;
	s17 =	sadd.s32 $0x27000, s25  }
0x19: {  	s21 =	simm.s32 $0xB780;
	s1 =	simm.s32 @p2 $0x1;
	[dreg:$0x9] =	wrdreg s7  }
0x1a: {  	s25 =	simm.s32 $0x6780;
	s2 =	simm.s32 $0x2800;
	[dreg:$0xb] =	wrdreg s8  }
0x1b: {  	s7 =	sadd.s32 s22, s3;
	[smem:$0x7FC] =	sst s1;
	s1 =	simm.s32 @!p0 $0x0  }
0x1c: {  	s22 =	sshrl.u32 @p1 s4, $0x3;
	s20 =	sshrl.u32 s7, $0x3;
	s1 =	simm.s32 @p0 $0x1  }
0x1d: {  	s7 =	simm.s32 $0x0;
	[smem:$0x7FD] =	sst s1;
	s1 =	simm.s32 $0x3  }
.LBB2_1:
0x1e: {  	s8 =	rddreg [dreg:$0x9]  }
0x1f: {  	[tilespmem:s5], [sflag:$0x4] =	stream.linear.gather [hbm4b:s8+s5], $0x2710, $0x38;
	[tilespmem:$0x1F2F8] =	vst v63  }
0x20: {  	s12 =	rddreg [dreg:$0xa]  }
0x21: {  	[tilespmem:s19], [sflag:$0x4] =	stream.linear.gather [hbm4b:s12+s5], $0x3E80, $0x38;
	[tilespmem:$0x1F2F8] =	vst v63  }
0x22: {  	[spmem:s20], [sflag:s14] =	dma.local [hbm:s6], $0x2700  }
0x23: {  	s16 =	rddreg [dreg:$0x6]  }
0x24: {  	s8 =	rddreg [dreg:$0x5]  }
0x25: {  	[tilespmem:s21], [sflag:$0x4] =	stream.linear.gather [hbm4b:s16+s5], $0x80, $0x38;
	[tilespmem:$0x1F2F8] =	vst v63  }
0x26: {  	[spmem:s22], [sflag:s14] =	dma.local @p1 [hbm:s8], $0x4F0  }
0x27: {  	s8 =	sld [smem:$0x7FC];
	_ =	sdelay $0x2  }
0x28: {  	p0 =	seq.s32 s8, $0x1  }
0x29: {  	s8 =	sshrl.u32 @!p0 s15, $0x3  }
0x2a: {  	[spmem:s8], [sflag:s14] =	dma.local @!p0 [hbm:s6], $0x100  }
0x2b: {  	_ =	swait.ge [sflag:s23], $0x2710  }
0x2c: {  	[sflag:s23] =	ssyncset.done $0x0  }
0x2d: {  	[sflag:s23] =	ssyncadd.s32 $0xFFFFD8F0  }
0x2e: {  	[tilespmem:s25], [sflag:$0x1] =	stream.indirect.gather [hbm4b:s0+s24], $0x80, s5, s24, $0xb8;
	[tilespmem:$0x1F2F8] =	vst v63  }
0x2f: {  	_ =	swait.ge [sflag:s23], $0x3E80  }
0x30: {  	[sflag:s23] =	ssyncset.done $0x0  }
0x31: {  	[sflag:s23] =	ssyncadd.s32 $0xFFFFC180  }
0x32: {  	_ =	swait.ge [sflag:s23], $0x2700  }
0x33: {  	[sflag:s23] =	ssyncset.done $0x0  }
0x34: {  	[sflag:s23] =	ssyncadd.s32 $0xFFFFD900  }
0x35: {  	_ =	swait.ge [sflag:s23], $0x80  }
0x36: {  	s9 =	sld [smem:$0x7FD];
	_ =	sdelay $0x1  }
0x37: {  	p0 =	por @!p0 $0x0, $0x0;
	[sflag:s23] =	ssyncset.done $0x0  }
0x38: {  	s8 =	simm.s32 @!p5 $0x4;
	[sflag:s23] =	ssyncadd.s32 $0xFFFFFF80;
	p3 =	seq.s32 s9, $0x1  }
0x39: {  	p2 =	por @p1 $0x1, $0x1;
	_ =	swait.ge @!p5 [sflag:s8], $0x100;
	p0 =	por @!p3 p4, p4  }
0x3a: {  	[sflag:s8] =	ssyncset.done @!p5 $0x0;
	p2 =	por @!p1 p0, p0  }
0x3b: {  	[sflag:s8] =	ssyncadd.s32 @!p5 $0xFFFFFF00;
	s8 =	simm.s32 @p2 $0x4  }
0x3c: {  	_ =	swait.ge @p2 [sflag:s8], $0x4F0  }
0x3d: {  	[sflag:s8] =	ssyncset.done @p2 $0x0  }
0x3e: {  	[sflag:s8] =	ssyncadd.s32 @p2 $0xFFFFFB10  }
0x3f: {  	[bflag:$0x0] =	sbarrier.arrive $0xFFFF  }
0x40: {  	[tilespmem:s26], [sflag:$0x2] =	stream.indirect.gather [hbm4b:s0+s24], $0x80, s24, s24, $0xb8;
	[tilespmem:$0x1F2F8] =	vst v63  }
0x41: {  	_ =	swait.ge [sflag:s28], $0x2800  }
0x42: {  	[sflag:s28] =	ssyncset.done $0x0  }
0x43: {  	[sflag:s28] =	ssyncadd.s32 $0xFFFFD800  }
0x44: {  	[spmem:s3] =	stream.indirect.scatter.add.f32 [tilespmem:s25], [sflag:$0x5], $0x80, s19, s24, $0xb8;
	[tilespmem:$0x1F2F8] =	vst v63  }
0x45: {  	_ =	swait.ge [sflag:s29], $0x2800  }
0x46: {  	[sflag:s29] =	ssyncset.done $0x0  }
0x47: {  	[sflag:s29] =	ssyncadd.s32 $0xFFFFD800  }
0x48: {  	[spmem:s4] =	stream.indirect.scatter.add.f32 [tilespmem:s21], [sflag:$0x3], $0x1, s19, s24, $0xb8;
	[tilespmem:$0x1F2F8] =	vst v63  }
0x49: {  	s9 =	simm.s32 $0xA0  }
0x4a: {  	[tilespmem:s25], [sflag:$0x1] =	stream.indirect.gather [hbm4b:s0+s24], $0x80, s9, s24, $0xb8;
	[tilespmem:$0x1F2F8] =	vst v63  }
0x4b: {  	_ =	swait.ge [sflag:s31], $0x2800  }
0x4c: {  	[sflag:s31] =	ssyncset.done $0x0  }
0x4d: {  	[sflag:s31] =	ssyncadd.s32 $0xFFFFD800  }
0x4e: {  	[spmem:s3] =	stream.indirect.scatter.add.f32 [tilespmem:s26], [sflag:$0x5], $0x80, s2, s24, $0xb8;
	[tilespmem:$0x1F2F8] =	vst v63  }
0x4f: {  	_ =	swait.ge [sflag:s29], $0x2800  }
0x50: {  	[sflag:s29] =	ssyncset.done $0x0  }
0x51: {  	[sflag:s29] =	ssyncadd.s32 $0xFFFFD800  }
0x52: {  	[spmem:s4] =	stream.indirect.scatter.add.f32 [tilespmem:s21], [sflag:$0x3], $0x1, s2, s24, $0xb8;
	[tilespmem:$0x1F2F8] =	vst v63  }
0x53: {  	s10 =	simm.s32 $0xF0  }
0x54: {  	[tilespmem:s26], [sflag:$0x2] =	stream.indirect.gather [hbm4b:s0+s24], $0x80, s10, s24, $0xb8;
	[tilespmem:$0x1F2F8] =	vst v63  }
0x55: {  	_ =	swait.ge [sflag:s28], $0x2800  }
0x56: {  	[sflag:s28] =	ssyncset.done $0x0  }
0x57: {  	s11 =	simm.s32 $0x2880;
	[sflag:s28] =	ssyncadd.s32 $0xFFFFD800  }
0x58: {  	[spmem:s3] =	stream.indirect.scatter.add.f32 [tilespmem:s25], [sflag:$0x5], $0x80, s11, s24, $0xb8;
	[tilespmem:$0x1F2F8] =	vst v63  }
0x59: {  	_ =	swait.ge [sflag:s29], $0x2800  }
0x5a: {  	[sflag:s29] =	ssyncset.done $0x0  }
0x5b: {  	[sflag:s29] =	ssyncadd.s32 $0xFFFFD800  }
0x5c: {  	[spmem:s4] =	stream.indirect.scatter.add.f32 [tilespmem:s21], [sflag:$0x3], $0x1, s11, s24, $0xb8;
	[tilespmem:$0x1F2F8] =	vst v63  }
0x5d: {  	s12 =	simm.s32 $0x140  }
0x5e: {  	[tilespmem:s25], [sflag:$0x1] =	stream.indirect.gather [hbm4b:s0+s24], $0x80, s12, s24, $0xb8;
	[tilespmem:$0x1F2F8] =	vst v63  }
0x5f: {  	_ =	swait.ge [sflag:s31], $0x2800  }
0x60: {  	[sflag:s31] =	ssyncset.done $0x0  }
0x61: {  	s16 =	simm.s32 $0x2900;
	[sflag:s31] =	ssyncadd.s32 $0xFFFFD800  }
0x62: {  	[spmem:s3] =	stream.indirect.scatter.add.f32 [tilespmem:s26], [sflag:$0x5], $0x80, s16, s24, $0xb8;
	[tilespmem:$0x1F2F8] =	vst v63  }
0x63: {  	_ =	swait.ge [sflag:s29], $0x2800  }
0x64: {  	[sflag:s29] =	ssyncset.done $0x0  }
0x65: {  	[sflag:s29] =	ssyncadd.s32 $0xFFFFD800  }
0x66: {  	[spmem:s4] =	stream.indirect.scatter.add.f32 [tilespmem:s21], [sflag:$0x3], $0x1, s16, s24, $0xb8;
	[tilespmem:$0x1F2F8] =	vst v63  }
0x67: {  	_ =	swait.ge [sflag:s1], $0x50  }
0x68: {  	[sflag:s1] =	ssyncset.done $0x0  }
0x69: {  	[sflag:s1] =	ssyncadd.s32 $0xFFFFFFB0  }
0x6a: {  	s8 =	simm.s32 $0x2980;
	_ =	swait.ge [sflag:s1], $0x50  }
0x6b: {  	s9 =	simm.s32 $0xFFFFDA80;
	s10 =	simm.s32 $0xFFFF6C80;
	[sflag:s1] =	ssyncset.done $0x0  }
.LBB2_2:
0x6c: {  	s11 =	sadd.s32 $0x2710, s9  }
0x6d: {  	[sflag:s1] =	ssyncadd.s32 $0xFFFFFFB0;
	s12 =	smov.u32 s10;
	s16 =	sadd.s32 $0x280, s10  }
0x6e: {  	[tilespmem:s26], [sflag:$0x2] =	stream.indirect.gather [hbm4b:s0+s24], $0x80, s11, s24, $0xb8;
	[tilespmem:$0x1F2F8] =	vst v63  }
0x6f: {  	p0 =	sne.s32 s10, $0xFFFFFD80;
	_ =	swait.ge [sflag:s28], $0x2800  }
0x70: {  	[sflag:s28] =	ssyncset.done $0x0  }
0x71: {  	[sflag:s28] =	ssyncadd.s32 $0xFFFFD800  }
0x72: {  	[spmem:s3] =	stream.indirect.scatter.add.f32 [tilespmem:s25], [sflag:$0x5], $0x80, s8, s24, $0xb8;
	[tilespmem:$0x1F2F8] =	vst v63  }
0x73: {  	_ =	swait.ge [sflag:s29], $0x2800  }
0x74: {  	[sflag:s29] =	ssyncset.done $0x0  }
0x75: {  	[sflag:s29] =	ssyncadd.s32 $0xFFFFD800  }
0x76: {  	[spmem:s4] =	stream.indirect.scatter.add.f32 [tilespmem:s21], [sflag:$0x3], $0x1, s8, s24, $0xb8;
	[tilespmem:$0x1F2F8] =	vst v63  }
0x77: {  	s9 =	sadd.s32 $0x2760, s9  }
0x78: {  	[tilespmem:s25], [sflag:$0x1] =	stream.indirect.gather [hbm4b:s0+s24], $0x80, s9, s24, $0xb8;
	[tilespmem:$0x1F2F8] =	vst v63  }
0x79: {  	_ =	swait.ge [sflag:s31], $0x2800  }
0x7a: {  	[sflag:s31] =	ssyncset.done $0x0  }
0x7b: {  	s9 =	sadd.s32 $0x80, s8;
	[sflag:s31] =	ssyncadd.s32 $0xFFFFD800  }
0x7c: {  	[spmem:s3] =	stream.indirect.scatter.add.f32 [tilespmem:s26], [sflag:$0x5], $0x80, s9, s24, $0xb8;
	[tilespmem:$0x1F2F8] =	vst v63  }
0x7d: {  	_ =	swait.ge [sflag:s29], $0x2800  }
0x7e: {  	[sflag:s29] =	ssyncset.done $0x0  }
0x7f: {  	[sflag:s29] =	ssyncadd.s32 $0xFFFFD800  }
0x80: {  	[spmem:s4] =	stream.indirect.scatter.add.f32 [tilespmem:s21], [sflag:$0x3], $0x1, s9, s24, $0xb8;
	[tilespmem:$0x1F2F8] =	vst v63  }
.Ltmp0:
0x81: {  	_ =	swait.ge [sflag:s1], $0x50;
	(pc) =	sbr.rel @p0 .LBB2_2-.Ltmp0, $4  }
0x82: {  	[sflag:s1] =	ssyncset.done $0x0  }
0x83: {  	[sflag:s1] =	ssyncadd.s32 $0xFFFFFFB0  }
0x84: {  	s10 =	smov.u32 s16;
	_ =	swait.ge [sflag:s1], $0x50  }
0x85: {  	s8 =	sadd.s32 $0x100, s8;
	s9 =	sshra.s32 s12, $0x2;
	[sflag:s1] =	ssyncset.done $0x0  }
0x86: {  	s10 =	sadd.s32 $0x2710, s9;
	[sflag:s1] =	ssyncadd.s32 $0xFFFFFFB0  }
0x87: {  	[tilespmem:s26], [sflag:$0x2] =	stream.indirect.gather [hbm4b:s0+s24], $0x80, s10, s24, $0xb8;
	[tilespmem:$0x1F2F8] =	vst v63  }
0x88: {  	_ =	swait.ge [sflag:s28], $0x2800  }
0x89: {  	[sflag:s28] =	ssyncset.done $0x0  }
0x8a: {  	[sflag:s28] =	ssyncadd.s32 $0xFFFFD800  }
0x8b: {  	[spmem:s3] =	stream.indirect.scatter.add.f32 [tilespmem:s25], [sflag:$0x5], $0x80, s8, s24, $0xb8;
	[tilespmem:$0x1F2F8] =	vst v63  }
0x8c: {  	_ =	swait.ge [sflag:s29], $0x2800  }
0x8d: {  	[sflag:s29] =	ssyncset.done $0x0  }
0x8e: {  	[sflag:s29] =	ssyncadd.s32 $0xFFFFD800  }
0x8f: {  	[spmem:s4] =	stream.indirect.scatter.add.f32 [tilespmem:s21], [sflag:$0x3], $0x1, s8, s24, $0xb8;
	[tilespmem:$0x1F2F8] =	vst v63  }
0x90: {  	s10 =	sadd.s32 $0x2760, s9  }
0x91: {  	[tilespmem:s25], [sflag:$0x1] =	stream.indirect.gather [hbm4b:s0+s24], $0x80, s10, s24, $0xb8;
	[tilespmem:$0x1F2F8] =	vst v63  }
0x92: {  	_ =	swait.ge [sflag:s31], $0x2800  }
0x93: {  	[sflag:s31] =	ssyncset.done $0x0  }
0x94: {  	s11 =	sadd.s32 $0x80, s8;
	[sflag:s31] =	ssyncadd.s32 $0xFFFFD800  }
0x95: {  	[spmem:s3] =	stream.indirect.scatter.add.f32 [tilespmem:s26], [sflag:$0x5], $0x80, s11, s24, $0xb8;
	[tilespmem:$0x1F2F8] =	vst v63  }
0x96: {  	_ =	swait.ge [sflag:s29], $0x2800  }
0x97: {  	[sflag:s29] =	ssyncset.done $0x0  }
0x98: {  	[sflag:s29] =	ssyncadd.s32 $0xFFFFD800  }
0x99: {  	[spmem:s4] =	stream.indirect.scatter.add.f32 [tilespmem:s21], [sflag:$0x3], $0x1, s11, s24, $0xb8;
	[tilespmem:$0x1F2F8] =	vst v63  }
0x9a: {  	_ =	swait.ge [sflag:s1], $0x50  }
0x9b: {  	[sflag:s1] =	ssyncset.done $0x0  }
0x9c: {  	[sflag:s1] =	ssyncadd.s32 $0xFFFFFFB0  }
0x9d: {  	_ =	swait.ge [sflag:s1], $0x50  }
0x9e: {  	[sflag:s1] =	ssyncset.done $0x0  }
0x9f: {  	[sflag:s1] =	ssyncadd.s32 $0xFFFFFFB0  }
0xa0: {  	_ =	swait.ge [sflag:s28], $0x2800  }
0xa1: {  	[sflag:s28] =	ssyncset.done $0x0  }
0xa2: {  	[sflag:s28] =	ssyncadd.s32 $0xFFFFD800  }
0xa3: {  	[spmem:s3] =	stream.indirect.scatter.add.f32 [tilespmem:s25], [sflag:$0x5], $0x80, s30, s24, $0xb8;
	[tilespmem:$0x1F2F8] =	vst v63  }
0xa4: {  	_ =	swait.ge [sflag:s29], $0x2800  }
0xa5: {  	[sflag:s29] =	ssyncset.done $0x0  }
0xa6: {  	[sflag:s29] =	ssyncadd.s32 $0xFFFFD800  }
0xa7: {  	[spmem:s4] =	stream.indirect.scatter.add.f32 [tilespmem:s21], [sflag:$0x3], $0x1, s30, s24, $0xb8;
	[tilespmem:$0x1F2F8] =	vst v63  }
0xa8: {  	_ =	swait.ge [sflag:s1], $0x50  }
0xa9: {  	[sflag:s1] =	ssyncset.done $0x0  }
0xaa: {  	[sflag:s1] =	ssyncadd.s32 $0xFFFFFFB0  }
0xab: {  	_ =	swait.ge [sflag:s1], $0x50  }
0xac: {  	[sflag:s1] =	ssyncset.done $0x0  }
0xad: {  	[sflag:s1] =	ssyncadd.s32 $0xFFFFFFB0  }
0xae: {  	_ =	swait.ge [sflag:s1], $0x50  }
0xaf: {  	[sflag:s1] =	ssyncset.done $0x0  }
0xb0: {  	[sflag:s1] =	ssyncadd.s32 $0xFFFFFFB0  }
0xb1: {  	[bflag:$0x0] =	sbarrier.arrive $0xFFFF  }
0xb2: {  	s8 =	sor.u32 $0x1C05, s13;
	s12 =	rddreg [dreg:$0xb]  }
0xb3: {  	[hbm:s12], [sflag:s8] =	dma.local [spmem:s20], $0x2700  }
0xb4: {  	_ =	swait.ge [sflag:s29], $0x2700  }
0xb5: {  	[sflag:s29] =	ssyncset.done $0x0  }
0xb6: {  	s9 =	sshrl.u32 @!p5 s15, $0x3;
	[sflag:s29] =	ssyncadd.s32 $0xFFFFD900  }
0xb7: {  	[hbm:s17], [sflag:s8] =	dma.local @!p5 [spmem:s9], $0x100  }
0xb8: {  	s9 =	simm.s32 @!p5 $0x5  }
0xb9: {  	_ =	swait.ge @!p5 [sflag:s9], $0x100  }
0xba: {  	[sflag:s9] =	ssyncset.done @!p5 $0x0  }
0xbb: {  	s10 =	rddreg [dreg:$0x7];
	[sflag:s9] =	ssyncadd.s32 @!p5 $0xFFFFFF00;
	s9 =	sshrl.u32 @!p6 s4, $0x3  }
0xbc: {  	[hbm:s10], [sflag:s8] =	dma.local @!p6 [spmem:s9], $0x4F0  }
0xbd: {  	s9 =	simm.s32 @!p6 $0x5  }
0xbe: {  	_ =	swait.ge @!p6 [sflag:s9], $0x4F0  }
0xbf: {  	s16 =	sld [smem:$0x7FB];
	_ =	sdelay $0x2  }
0xc0: {  	p0 =	seq.s32 s16, $0x1  }
0xc1: {  	s7 =	sadd.s32 $0x1, s7;
	p0 =	por !p2, !p0  }
0xc2: {  	[sflag:s9] =	ssyncset.done @!p6 $0x0;
	s10 =	rddreg [dreg:$0x8];
	p0 =	por !p0, !p0  }
0xc3: {  	[sflag:s9] =	ssyncadd.s32 @!p6 $0xFFFFFB10;
	p2 =	sne.s32 s7, s18;
	s9 =	sshrl.u32 @p0 s4, $0x3  }
0xc4: {  	[hbm:s10], [sflag:s8] =	dma.local @p0 [spmem:s9], $0x4F0  }
.Ltmp1:
0xc5: {  	_ = 	snop;
	(pc) =	sbr.rel @p2 .LBB2_1-.Ltmp1, $4  }
0xc6: {  	s8 =	simm.s32 @p0 $0x5  }
0xc7: {  	_ =	swait.ge @p0 [sflag:s8], $0x4F0  }
0xc8: {  	[sflag:s8] =	ssyncset.done @p0 $0x0  }
0xc9: {  	[sflag:s8] =	ssyncadd.s32 @p0 $0xFFFFFB10  }
0xca: {  	_ =	sfence.sel $0x180000  }
0xcb: {  	[bflag:$0x0] =	sbarrier.arrive $0xFFFF  }
0xcc: {  	_ =	strace $0x9000004A  }
0xcd: {  	s0 =	stileid.u32;
	[bflag:$0x2] =	sbarrier.arrive $0xFFFF  }
0xce: {  	p0 =	sne.s32 s0, $0x0;
	s0 =	rddreg [dreg:$0x4]  }
0xcf: {  	s0 =	sadd.s32 @!p0 $0x100000, s0  }
0xd0: {  	[sflag:s0] =	ssyncadd.tile.s32 @!p0 $0x1;
	_ =	shalt  }
.Lfunc_end2:
_tile_overlayer_lowered:
.L_overlay_start_2:
0xd1: {  	(tag) =	ssettag $0x2  }
0xd2: {  	s0 =	rddreg [dreg:$0x0];
	s2 =	stileid.u32  }
0xd3: {  	s1 =	rddreg [dreg:$0x1];
	p0 =	sne.s32 s2, $0x0  }
0xd4: {  	s3 =	rddreg [dreg:$0x2];
	[bflag:$0x3] =	sbarrier.arrive $0xFFFF;
	s2 =	simm.s32 @!p0 $0x1C05  }
0xd5: {  	[timem:s3], [sflag:s2] =	dma.local @!p0 [hbm:s0], s1  }
0xd6: {  	s0 =	simm.s32 @!p0 $0x5  }
0xd7: {  	_ =	swait.ge @!p0 [sflag:s0], s1  }
0xd8: {  	s1 =	ssub.s32 @!p0 $0x0, s1;
	[sflag:s0] =	ssyncset.done @!p0 $0x0  }
0xd9: {  	[sflag:s0] =	ssyncadd.s32 @!p0 s1  }
0xda: {  	[bflag:$0x3] =	sbarrier.arrive $0xFFFF  }
0xdb: {  	_ =	shalt  }

// kernel: kernel.9.cloned.1.call-start
scs
__scs_entry_jumppad:
0x0: {  	(pc) =	sbr.rel $0x88, $3  }
0x1: {  	(tag) =	ssettag $0x0;
	lr =	simm.s32 $0x1  }
0x2: {  	[smem:$0x3F9A] =	sst lr;
	_ =	strace $0xD0000000  }
0x3: {  	_ = 	snop  }
0x4: {  	_ = 	snop  }
0x5: {  	_ = 	snop  }
0x6: {  	_ = 	snop  }
0x7: {  	_ = 	snop  }
__scs_overlays_trampoline_lowered:
0x8: {  	[smem:$0x3FA9] =	sst s0  }
0x9: {  	[smem:$0x3FAA] =	sst s1  }
0xa: {  	[smem:$0x3FAB] =	sst s2  }
0xb: {  	[smem:$0x3FAC] =	sst s3  }
0xc: {  	[smem:$0x3FAD] =	sst s4  }
0xd: {  	[smem:$0x3FAE] =	sst s5  }
0xe: {  	[smem:$0x3FAF] =	sst s6  }
0xf: {  	[smem:$0x3FB0] =	sst s7  }
0x10: {  	[smem:$0x3FB1] =	sst s8  }
0x11: {  	[smem:$0x3FB2] =	sst s9;
	s0 =	simm.s32 @!p0 $0x0  }
0x12: {  	s1 =	sld [smem:$0x3F98];
	s0 =	simm.s32 @p0 $0x1  }
0x13: {  	[smem:$0x3FB3] =	sst s0;
	s0 =	simm.s32 @!p1 $0x0  }
0x14: {  	s2 =	sld [smem:$0x3F97];
	s0 =	simm.s32 @p1 $0x1  }
0x15: {  	[smem:$0x3FB4] =	sst s0;
	s0 =	simm.s32 @!p2 $0x0  }
0x16: {  	s3 =	sld [smem:$0x3FDB];
	s0 =	simm.s32 @p2 $0x1  }
0x17: {  	s4 =	simm.s32 $0x1BF5;
	[smem:$0x3FB6] =	sst s0  }
0x18: {  	s0 =	sld [smem:$0x3F99];
	_ =	swait.ge [sflag:s4], $0x0  }
0x19: {  	s7 =	sld [smem:$0x3F9A]  }
0x1a: {  	s8 =	sadd.s32 $0xFFFFE003, lr  }
0x1b: {  	s9 =	sadd.s32 $0xFFFFFEF7, lr;
	s5 =	simm.s32 $0xFFFFFFFF;
	p2 =	slt.u32 s8, $0xFFFFF086  }
0x1c: {  	p1 =	slt.u32 s9, $0xF7A;
	s5 =	simm.s32 @!p2 $0x0  }
0x1d: {  	s5 =	simm.s32 @p1 $0x1;
	p0 =	seq.s32 s7, s2  }
0x1e: {  	s7 =	smul.u32 @!p0 $0xF7A, s2;
	p2 =	seq.s32 @!p0 s5, $0x0  }
0x1f: {  	s9 =	smul.u32 $0xF7A, s1;
	s8 =	simm.s32 @!p0 $0x1BF5;
	p2 =	por !p2, p0  }
0x20: {  	[sflag:s8] =	ssyncset.s32 @!p0 $0xFFFFF086;
	s6 =	sadd.s32 @!p0 s3, s7;
	s7 =	simm.s32 @!p0 $0x108  }
0x21: {  	s3 =	sadd.s32 s3, s9;
	s6 =	sadd.s32 @!p0 $0x88, s6;
	s7 =	simm.s32 @p2 $0x1082  }
0x22: {  	[simem:s7], [sflag:s8] =	dma.local @!p0 [hbm:s6], $0xF7A  }
0x23: {  	s9 =	sor.u32 $0xD0000000, s2;
	s6 =	simm.s32 $0x108;
	_ =	swait.ge @!p0 [sflag:s8], $0x0  }
0x24: {  	s3 =	sadd.s32 $0x88, s3;
	s6 =	simm.s32 @!p1 $0x1082;
	[sflag:s4] =	ssyncset.s32 $0xFFFFF086  }
0x25: {  	[simem:s6], [sflag:s4] =	dma.local [hbm:s3], $0xF7A  }
0x26: {  	[smem:$0x3F9A] =	sst s1;
	(tag) =	ssettag s2;
	_ =	strace s9  }
0x27: {  	s1 =	sld [smem:$0x3FAA]  }
0x28: {  	s2 =	sld [smem:$0x3FAB]  }
0x29: {  	s4 =	sld [smem:$0x3FAD]  }
0x2a: {  	p0 =	seq.s32 s5, $0x0;
	s5 =	sld [smem:$0x3FAE]  }
0x2b: {  	s6 =	sld [smem:$0x3FAF]  }
0x2c: {  	s7 =	sld [smem:$0x3FB0]  }
0x2d: {  	s3 =	simm.s32 $0x108;
	s8 =	sld [smem:$0x3FB1]  }
0x2e: {  	s3 =	simm.s32 @!p0 $0x1082;
	s9 =	sld [smem:$0x3FB2]  }
0x2f: {  	lr =	sadd.s32 s0, s3;
	s0 =	sld [smem:$0x3FA9]  }
0x30: {  	s3 =	sld [smem:$0x3FAC]  }
0x31: {  	[smem:$0x3FB5] =	sst s10  }
0x32: {  	s10 =	sld [smem:$0x3FB3];
	_ =	sdelay $0x3  }
0x33: {  	p0 =	seq.s32 s10, $0x1;
	s10 =	sld [smem:$0x3FB5];
	_ =	sdelay $0x3  }
0x34: {  	[smem:$0x3FB5] =	sst s10  }
0x35: {  	s10 =	sld [smem:$0x3FB4];
	_ =	sdelay $0x3  }
0x36: {  	p1 =	seq.s32 s10, $0x1;
	s10 =	sld [smem:$0x3FB5];
	_ =	sdelay $0x3  }
0x37: {  	[smem:$0x3FB5] =	sst s10  }
0x38: {  	s10 =	sld [smem:$0x3FB6]  }
0x39: {  	_ = 	snop;
	(pc) =	sbr.ind lr, $3  }
0x3a: {  	_ = 	snop  }
0x3b: {  	_ = 	snop  }
0x3c: {  	p2 =	seq.s32 s10, $0x1;
	s10 =	sld [smem:$0x3FB5]  }
0x3d: {  	_ =	shalt  }
0x3e: {  	_ =	shalt  }
0x3f: {  	_ =	shalt  }
0x40: {  	_ =	shalt  }
0x41: {  	_ =	shalt  }
0x42: {  	_ =	shalt  }
0x43: {  	_ =	shalt  }
0x44: {  	_ =	shalt  }
0x45: {  	_ =	shalt  }
0x46: {  	_ =	shalt  }
0x47: {  	_ =	shalt  }
0x48: {  	_ =	shalt  }
0x49: {  	_ =	shalt  }
0x4a: {  	_ =	shalt  }
0x4b: {  	_ =	shalt  }
0x4c: {  	_ =	shalt  }
0x4d: {  	_ =	shalt  }
0x4e: {  	_ =	shalt  }
0x4f: {  	_ =	shalt  }
0x50: {  	_ =	shalt  }
0x51: {  	_ =	shalt  }
0x52: {  	_ =	shalt  }
0x53: {  	_ =	shalt  }
0x54: {  	_ =	shalt  }
0x55: {  	_ =	shalt  }
0x56: {  	_ =	shalt  }
0x57: {  	_ =	shalt  }
0x58: {  	_ =	shalt  }
0x59: {  	_ =	shalt  }
0x5a: {  	_ =	shalt  }
0x5b: {  	_ =	shalt  }
0x5c: {  	_ =	shalt  }
0x5d: {  	_ =	shalt  }
0x5e: {  	_ =	shalt  }
0x5f: {  	_ =	shalt  }
0x60: {  	_ =	shalt  }
0x61: {  	_ =	shalt  }
0x62: {  	_ =	shalt  }
0x63: {  	_ =	shalt  }
0x64: {  	_ =	shalt  }
0x65: {  	_ =	shalt  }
0x66: {  	_ =	shalt  }
0x67: {  	_ =	shalt  }
0x68: {  	_ =	shalt  }
0x69: {  	_ =	shalt  }
0x6a: {  	_ =	shalt  }
0x6b: {  	_ =	shalt  }
0x6c: {  	_ =	shalt  }
0x6d: {  	_ =	shalt  }
0x6e: {  	_ =	shalt  }
0x6f: {  	_ =	shalt  }
0x70: {  	_ =	shalt  }
0x71: {  	_ =	shalt  }
0x72: {  	_ =	shalt  }
0x73: {  	_ =	shalt  }
0x74: {  	_ =	shalt  }
0x75: {  	_ =	shalt  }
0x76: {  	_ =	shalt  }
0x77: {  	_ =	shalt  }
0x78: {  	_ =	shalt  }
0x79: {  	_ =	shalt  }
0x7a: {  	_ =	shalt  }
0x7b: {  	_ =	shalt  }
0x7c: {  	_ =	shalt  }
0x7d: {  	_ =	shalt  }
0x7e: {  	_ =	shalt  }
0x7f: {  	_ =	shalt  }
0x80: {  	_ =	shalt  }
0x81: {  	_ =	shalt  }
0x82: {  	_ =	shalt  }
0x83: {  	_ =	shalt  }
0x84: {  	_ =	shalt  }
0x85: {  	_ =	shalt  }
0x86: {  	_ =	shalt  }
0x87: {  	_ =	shalt  }
.Lfunc_end0:
.L_simem_size_0:
called_computation_lowered:
.L_overlay_start_0:
0x88: {  	s2 =	sld [smem:$0x3FD9]  }
0x89: {  	s3 =	sld [smem:$0x3FFE];
	_ =	sdelay $0x1  }
0x8a: {  	s1 =	srdreg.scid  }
0x8b: {  	s0 =	sand.u32 $0x1, s1  }
0x8c: {  	s17 =	sshll.u32 s0, $0xA;
	s2 =	sadd.s32 s3, s2  }
0x8d: {  	s2 =	sadd.s32 s2, s17  }
0x8e: {  	[smem:$0x3FC1] =	sst s2  }
0x8f: {  	_ = 	snop  }
0x90: {  	s2 =	sld [smem:$0x3FD0];
	(tm) =	ssettm $0x1  }
0x91: {  	s18 =	sld [smem:$0x3FFB];
	_ =	sdelay $0x3  }
0x92: {  	_ =	strace s18  }
0x93: {  	s3 =	sld [smem:$0x3FFC];
	_ =	sdelay $0x3  }
0x94: {  	_ =	strace s3  }
0x95: {  	s3 =	sld [smem:$0x3FFD];
	_ =	sdelay $0x3  }
0x96: {  	_ =	strace s3  }
0x97: {  	_ =	strace $0x8FFFFFFF  }
0x98: {  	s19 =	sld [smem:$0x3FDB];
	_ =	sdelay $0x1  }
0x99: {  	s4 =	simm.s32 $_scs_section_size  }
0x9a: {  	s5 =	simm.s32 $_size__tile_overlayer_lowered;
	s6 =	simm.s32 $_tile_overlayer_lowered  }
0x9b: {  	s22 =	simm.s32 $0x1BFF;
	s21 =	sshll.u32 s6, $0x1;
	s3 =	sadd.s32 s4, s19  }
0x9c: {  	s7 =	simm.s32 $0x0;
	s20 =	sshll.u32 s5, $0x1;
	s5 =	sadd.s32 s21, s3  }
0x9d: {  	[timem:s7], [sflag:s22] =	dma.local [hbm:s5], s20  }
0x9e: {  	_ =	swait.ge [sflag:s22], s20  }
0x9f: {  	s4 =	ssub.s32 $0x0, s20;
	[sflag:s22] =	ssyncset.done $0x0  }
0xa0: {  	[sflag:s22] =	ssyncadd.s32 s4;
	_ =	sdelay $0x1  }
0xa1: {  	s23 =	simm.s32 $0x1B8B  }
0xa2: {  	_ =	swait.ge [sflag:s23], $0x1  }
0xa3: {  	[sflag:s23] =	ssyncset.done $0x0  }
0xa4: {  	s25 =	simm.s32 $0x1B8E;
	s24 =	sld [smem:$0x3FFE];
	[sflag:s23] =	ssyncadd.s32 $0xFFFFFFFF  }
0xa5: {  	s26 =	simm.s32 $execute0_lowered;
	[smem:$0x3FD2] =	sst s25  }
0xa6: {  	s5 =	sshll.u32 s26, $0x1;
	_ =	strace $0x80000046;
	[dreg:$0x1] =	wrdreg $0xFFFFFFFF  }
0xa7: {  	s28 =	simm.s32 $_size_execute0_lowered;
	s3 =	sadd.s32 s3, s5;
	[dreg:$0x0] =	wrdreg $0x0  }
0xa8: {  	s5 =	sshll.u32 s28, $0x1;
	[dreg:$0x2] =	wrdreg s3  }
0xa9: {  	[dreg:$0x3] =	wrdreg s5  }
0xaa: {  	[dreg:$0x4] =	wrdreg $0xC0  }
0xab: {  	_ =	task [dreg:s7], $0x5FFFF  }
0xac: {  	[dreg:$0x1] =	wrdreg $0xFFFFFFFF  }
0xad: {  	[dreg:$0x0] =	wrdreg $0x60  }
0xae: {  	[dreg:$0x2] =	wrdreg s2  }
0xaf: {  	[dreg:$0x3] =	wrdreg s24  }
0xb0: {  	[dreg:$0x4] =	wrdreg $0xB8000  }
0xb1: {  	[dreg:$0x5] =	wrdreg $0x1F0800  }
0xb2: {  	[dreg:$0x6] =	wrdreg $0x9  }
0xb3: {  	_ =	task.clear_ibuf [dreg:s7], $0x7FFFF;
	_ =	strace $0x90000046  }
0xb4: {  	s29 =	simm.s32 $0x9;
	_ =	strace $0x80000048  }
0xb5: {  	_ =	swait.ge [sflag:s29], $0x1  }
0xb6: {  	[sflag:s29] =	ssyncadd.s32 $0xFFFFFFFF  }
0xb7: {  	_ =	strace $0x90000048  }
0xb8: {  	_ =	sfence  }
0xb9: {  	s30 =	sld [smem:$0x0];
	_ =	sdelay $0x2  }
0xba: {  	s31 =	sshll.u32 s1, $0xD;
	s1 =	sshrl.u32 s1, $0x2  }
0xbb: {  	s3 =	sand.u32 $0x4000, s31;
	s1 =	sadd.s32 s1, s30  }
0xbc: {  	s0 =	sor.u32 s3, s0;
	s1 =	sshll.u32 s1, $0x11  }
0xbd: {  	s0 =	sor.u32 s1, s0  }
0xbe: {  	s0 =	sadd.s32 $0x8F2B, s0  }
0xbf: {  	[sflag:s0] =	ssyncadd.remote.s32 $0x1  }
0xc0: {  	_ =	sfence.sel $0xFFFF  }
0xc1: {  	[dreg:$0x0] =	wrdreg $0xFFFFFFFF;
	(pc) =	sbr.abs _section_cstart, $3  }
0xc2: {  	[dreg:$0x1] =	wrdreg $0xFFFFFFFF  }
0xc3: {  	_ =	task.clear_ibuf [dreg:s7], $0x2FFFF;
	_ =	strace $0x9FFFFFFF  }
0xc4: {  	(tm) =	ssettm $0x7FFFFFFF  }
0xc5: {  	_ =	shalt  }
tec
execute0_lowered:
.L_overlay_start_1:
0x0: {  	(tag) =	ssettag $0x1  }
0x1: {  	s0 =	rddreg [dreg:$0x0]  }
0x2: {  	s2 =	rddreg [dreg:$0x1]  }
0x3: {  	s1 =	srdreg.scid;
	s3 =	rddreg [dreg:$0x2]  }
0x4: {  	s12 =	stileid.u32;
	s4 =	rddreg [dreg:$0x3];
	s28 =	simm.s32 $0x1  }
0x5: {  	s29 =	simm.s32 $0x5;
	s31 =	simm.s32 $0x2;
	s30 =	simm.s32 $0x6580  }
0x6: {  	p4 =	por $0x0, $0x0;
	s1 =	sand.u32 $0x1, s1;
	s9 =	sadd.s32 $0x1DC00, s2  }
0x7: {  	s16 =	sadd.s32 $0x1E200, s2;
	s17 =	sadd.s32 $0x1F000, s2;
	s13 =	smul.u32 $0x4E000, s12  }
0x8: {  	s11 =	sadd.s32 $0x1E400, s2;
	s20 =	smul.u32 $0x13800, s12;
	p1 =	seq.s32 s12, $0x0  }
0x9: {  	p5 =	sne.s32 s12, $0xF;
	s5 =	sshll.u32 s1, $0x4;
	s10 =	ssub.s32 $0x2, s1  }
0xa: {  	s15 =	smul.u32 $0x138800, s1;
	s26 =	sor.u32 s1, s12;
	p0 =	seq.s32 s1, $0x1  }
0xb: {  	s6 =	sor.u32 s12, s5;
	s5 =	simm.s32 $0x0;
	s18 =	sshrl.u32 s10, $0x1  }
0xc: {  	s22 =	sshrl.u32 s13, $0x2;
	s13 =	sshll.u32 s12, $0x6;
	s1 =	simm.s32 @!p0 $0x0  }
0xd: {  	p6 =	sne.s32 s26, $0x0;
	s26 =	simm.s32 $0x8F80;
	s7 =	smul.u32 $0x4E2, s6  }
0xe: {  	[smem:$0x7FF] =	sst s5;
	s6 =	sshll.u32 s6, $0xB;
	s19 =	ssub.s32 s10, s18  }
0xf: {  	s23 =	sadd.s32 s20, s15;
	s14 =	sor.u32 $0x1C04, s13;
	s24 =	sshrl.u32 s15, $0x3  }
0x10: {  	s15 =	sadd.s32 $0x138000, s3;
	_ =	strace $0x80000047;
	[dreg:$0x5] =	wrdreg s9  }
0x11: {  	s1 =	simm.s32 @p0 $0x1;
	p0 =	sne.s32 @!p1 s12, $0xF;
	[dreg:$0x6] =	wrdreg s16  }
0x12: {  	s8 =	sadd.s32 s6, s2;
	s6 =	sadd.s32 $0x1B400, s2;
	[dreg:$0x7] =	wrdreg s11  }
0x13: {  	s25 =	sadd.s32 s17, s24;
	[smem:$0x7FB] =	sst s1;
	s18 =	smax.u32 s19, $0x1  }
0x14: {  	s19 =	simm.s32 $0x2780;
	p2 =	por p0, p1;
	p0 =	por !p0, p1  }
0x15: {  	s24 =	simm.s32 $0x50;
	s7 =	sadd.s32 s7, s2;
	s2 =	sadd.s32 $0x1EA00, s2  }
0x16: {  	s21 =	sadd.s32 $0xB400, s8;
	s8 =	sshrl.u32 s23, $0x3;
	s1 =	simm.s32 @!p2 $0x0  }
0x17: {  	s23 =	simm.s32 $0x4;
	[dreg:$0x8] =	wrdreg s2;
	s7 =	sadd.s32 $0x1600, s7  }
0x18: {  	[dreg:$0xa] =	wrdreg s21;
	s8 =	sadd.s32 s17, s8;
	s17 =	sadd.s32 $0x27000, s25  }
0x19: {  	s21 =	simm.s32 $0xB780;
	s1 =	simm.s32 @p2 $0x1;
	[dreg:$0x9] =	wrdreg s7  }
0x1a: {  	s25 =	simm.s32 $0x6780;
	s2 =	simm.s32 $0x2800;
	[dreg:$0xb] =	wrdreg s8  }
0x1b: {  	s7 =	sadd.s32 s22, s3;
	[smem:$0x7FC] =	sst s1;
	s1 =	simm.s32 @!p0 $0x0  }
0x1c: {  	s22 =	sshrl.u32 @p1 s4, $0x3;
	s20 =	sshrl.u32 s7, $0x3;
	s1 =	simm.s32 @p0 $0x1  }
0x1d: {  	s7 =	simm.s32 $0x0;
	[smem:$0x7FD] =	sst s1;
	s1 =	simm.s32 $0x3  }
.LBB2_1:
0x1e: {  	s8 =	rddreg [dreg:$0x9]  }
0x1f: {  	[tilespmem:s5], [sflag:$0x4] =	stream.linear.gather [hbm4b:s8+s5], $0x2710, $0x38;
	[tilespmem:$0x1F2F8] =	vst v63  }
0x20: {  	s12 =	rddreg [dreg:$0xa]  }
0x21: {  	[tilespmem:s19], [sflag:$0x4] =	stream.linear.gather [hbm4b:s12+s5], $0x3E80, $0x38;
	[tilespmem:$0x1F2F8] =	vst v63  }
0x22: {  	[spmem:s20], [sflag:s14] =	dma.local [hbm:s6], $0x2700  }
0x23: {  	s16 =	rddreg [dreg:$0x6]  }
0x24: {  	s8 =	rddreg [dreg:$0x5]  }
0x25: {  	[tilespmem:s21], [sflag:$0x4] =	stream.linear.gather [hbm4b:s16+s5], $0x80, $0x38;
	[tilespmem:$0x1F2F8] =	vst v63  }
0x26: {  	[spmem:s22], [sflag:s14] =	dma.local @p1 [hbm:s8], $0x4F0  }
0x27: {  	s8 =	sld [smem:$0x7FC];
	_ =	sdelay $0x2  }
0x28: {  	p0 =	seq.s32 s8, $0x1  }
0x29: {  	s8 =	sshrl.u32 @!p0 s15, $0x3  }
0x2a: {  	[spmem:s8], [sflag:s14] =	dma.local @!p0 [hbm:s6], $0x100  }
0x2b: {  	_ =	swait.ge [sflag:s23], $0x2710  }
0x2c: {  	[sflag:s23] =	ssyncset.done $0x0  }
0x2d: {  	[sflag:s23] =	ssyncadd.s32 $0xFFFFD8F0  }
0x2e: {  	[tilespmem:s25], [sflag:$0x1] =	stream.indirect.gather [hbm4b:s0+s24], $0x80, s5, s24, $0xb8;
	[tilespmem:$0x1F2F8] =	vst v63  }
0x2f: {  	_ =	swait.ge [sflag:s23], $0x3E80  }
0x30: {  	[sflag:s23] =	ssyncset.done $0x0  }
0x31: {  	[sflag:s23] =	ssyncadd.s32 $0xFFFFC180  }
0x32: {  	_ =	swait.ge [sflag:s23], $0x2700  }
0x33: {  	[sflag:s23] =	ssyncset.done $0x0  }
0x34: {  	[sflag:s23] =	ssyncadd.s32 $0xFFFFD900  }
0x35: {  	_ =	swait.ge [sflag:s23], $0x80  }
0x36: {  	s9 =	sld [smem:$0x7FD];
	_ =	sdelay $0x1  }
0x37: {  	p0 =	por @!p0 $0x0, $0x0;
	[sflag:s23] =	ssyncset.done $0x0  }
0x38: {  	s8 =	simm.s32 @!p5 $0x4;
	[sflag:s23] =	ssyncadd.s32 $0xFFFFFF80;
	p3 =	seq.s32 s9, $0x1  }
0x39: {  	p2 =	por @p1 $0x1, $0x1;
	_ =	swait.ge @!p5 [sflag:s8], $0x100;
	p0 =	por @!p3 p4, p4  }
0x3a: {  	[sflag:s8] =	ssyncset.done @!p5 $0x0;
	p2 =	por @!p1 p0, p0  }
0x3b: {  	[sflag:s8] =	ssyncadd.s32 @!p5 $0xFFFFFF00;
	s8 =	simm.s32 @p2 $0x4  }
0x3c: {  	_ =	swait.ge @p2 [sflag:s8], $0x4F0  }
0x3d: {  	[sflag:s8] =	ssyncset.done @p2 $0x0  }
0x3e: {  	[sflag:s8] =	ssyncadd.s32 @p2 $0xFFFFFB10  }
0x3f: {  	[bflag:$0x0] =	sbarrier.arrive $0xFFFF  }
0x40: {  	[tilespmem:s26], [sflag:$0x2] =	stream.indirect.gather [hbm4b:s0+s24], $0x80, s24, s24, $0xb8;
	[tilespmem:$0x1F2F8] =	vst v63  }
0x41: {  	_ =	swait.ge [sflag:s28], $0x2800  }
0x42: {  	[sflag:s28] =	ssyncset.done $0x0  }
0x43: {  	[sflag:s28] =	ssyncadd.s32 $0xFFFFD800  }
0x44: {  	[spmem:s3] =	stream.indirect.scatter.add.f32 [tilespmem:s25], [sflag:$0x5], $0x80, s19, s24, $0xb8;
	[tilespmem:$0x1F2F8] =	vst v63  }
0x45: {  	_ =	swait.ge [sflag:s29], $0x2800  }
0x46: {  	[sflag:s29] =	ssyncset.done $0x0  }
0x47: {  	[sflag:s29] =	ssyncadd.s32 $0xFFFFD800  }
0x48: {  	[spmem:s4] =	stream.indirect.scatter.add.f32 [tilespmem:s21], [sflag:$0x3], $0x1, s19, s24, $0xb8;
	[tilespmem:$0x1F2F8] =	vst v63  }
0x49: {  	s9 =	simm.s32 $0xA0  }
0x4a: {  	[tilespmem:s25], [sflag:$0x1] =	stream.indirect.gather [hbm4b:s0+s24], $0x80, s9, s24, $0xb8;
	[tilespmem:$0x1F2F8] =	vst v63  }
0x4b: {  	_ =	swait.ge [sflag:s31], $0x2800  }
0x4c: {  	[sflag:s31] =	ssyncset.done $0x0  }
0x4d: {  	[sflag:s31] =	ssyncadd.s32 $0xFFFFD800  }
0x4e: {  	[spmem:s3] =	stream.indirect.scatter.add.f32 [tilespmem:s26], [sflag:$0x5], $0x80, s2, s24, $0xb8;
	[tilespmem:$0x1F2F8] =	vst v63  }
0x4f: {  	_ =	swait.ge [sflag:s29], $0x2800  }
0x50: {  	[sflag:s29] =	ssyncset.done $0x0  }
0x51: {  	[sflag:s29] =	ssyncadd.s32 $0xFFFFD800  }
0x52: {  	[spmem:s4] =	stream.indirect.scatter.add.f32 [tilespmem:s21], [sflag:$0x3], $0x1, s2, s24, $0xb8;
	[tilespmem:$0x1F2F8] =	vst v63  }
0x53: {  	s10 =	simm.s32 $0xF0  }
0x54: {  	[tilespmem:s26], [sflag:$0x2] =	stream.indirect.gather [hbm4b:s0+s24], $0x80, s10, s24, $0xb8;
	[tilespmem:$0x1F2F8] =	vst v63  }
0x55: {  	_ =	swait.ge [sflag:s28], $0x2800  }
0x56: {  	[sflag:s28] =	ssyncset.done $0x0  }
0x57: {  	s11 =	simm.s32 $0x2880;
	[sflag:s28] =	ssyncadd.s32 $0xFFFFD800  }
0x58: {  	[spmem:s3] =	stream.indirect.scatter.add.f32 [tilespmem:s25], [sflag:$0x5], $0x80, s11, s24, $0xb8;
	[tilespmem:$0x1F2F8] =	vst v63  }
0x59: {  	_ =	swait.ge [sflag:s29], $0x2800  }
0x5a: {  	[sflag:s29] =	ssyncset.done $0x0  }
0x5b: {  	[sflag:s29] =	ssyncadd.s32 $0xFFFFD800  }
0x5c: {  	[spmem:s4] =	stream.indirect.scatter.add.f32 [tilespmem:s21], [sflag:$0x3], $0x1, s11, s24, $0xb8;
	[tilespmem:$0x1F2F8] =	vst v63  }
0x5d: {  	s12 =	simm.s32 $0x140  }
0x5e: {  	[tilespmem:s25], [sflag:$0x1] =	stream.indirect.gather [hbm4b:s0+s24], $0x80, s12, s24, $0xb8;
	[tilespmem:$0x1F2F8] =	vst v63  }
0x5f: {  	_ =	swait.ge [sflag:s31], $0x2800  }
0x60: {  	[sflag:s31] =	ssyncset.done $0x0  }
0x61: {  	s16 =	simm.s32 $0x2900;
	[sflag:s31] =	ssyncadd.s32 $0xFFFFD800  }
0x62: {  	[spmem:s3] =	stream.indirect.scatter.add.f32 [tilespmem:s26], [sflag:$0x5], $0x80, s16, s24, $0xb8;
	[tilespmem:$0x1F2F8] =	vst v63  }
0x63: {  	_ =	swait.ge [sflag:s29], $0x2800  }
0x64: {  	[sflag:s29] =	ssyncset.done $0x0  }
0x65: {  	[sflag:s29] =	ssyncadd.s32 $0xFFFFD800  }
0x66: {  	[spmem:s4] =	stream.indirect.scatter.add.f32 [tilespmem:s21], [sflag:$0x3], $0x1, s16, s24, $0xb8;
	[tilespmem:$0x1F2F8] =	vst v63  }
0x67: {  	_ =	swait.ge [sflag:s1], $0x50  }
0x68: {  	[sflag:s1] =	ssyncset.done $0x0  }
0x69: {  	[sflag:s1] =	ssyncadd.s32 $0xFFFFFFB0  }
0x6a: {  	s8 =	simm.s32 $0x2980;
	_ =	swait.ge [sflag:s1], $0x50  }
0x6b: {  	s9 =	simm.s32 $0xFFFFDA80;
	s10 =	simm.s32 $0xFFFF6C80;
	[sflag:s1] =	ssyncset.done $0x0  }
.LBB2_2:
0x6c: {  	s11 =	sadd.s32 $0x2710, s9  }
0x6d: {  	[sflag:s1] =	ssyncadd.s32 $0xFFFFFFB0;
	s12 =	smov.u32 s10;
	s16 =	sadd.s32 $0x280, s10  }
0x6e: {  	[tilespmem:s26], [sflag:$0x2] =	stream.indirect.gather [hbm4b:s0+s24], $0x80, s11, s24, $0xb8;
	[tilespmem:$0x1F2F8] =	vst v63  }
0x6f: {  	p0 =	sne.s32 s10, $0xFFFFFD80;
	_ =	swait.ge [sflag:s28], $0x2800  }
0x70: {  	[sflag:s28] =	ssyncset.done $0x0  }
0x71: {  	[sflag:s28] =	ssyncadd.s32 $0xFFFFD800  }
0x72: {  	[spmem:s3] =	stream.indirect.scatter.add.f32 [tilespmem:s25], [sflag:$0x5], $0x80, s8, s24, $0xb8;
	[tilespmem:$0x1F2F8] =	vst v63  }
0x73: {  	_ =	swait.ge [sflag:s29], $0x2800  }
0x74: {  	[sflag:s29] =	ssyncset.done $0x0  }
0x75: {  	[sflag:s29] =	ssyncadd.s32 $0xFFFFD800  }
0x76: {  	[spmem:s4] =	stream.indirect.scatter.add.f32 [tilespmem:s21], [sflag:$0x3], $0x1, s8, s24, $0xb8;
	[tilespmem:$0x1F2F8] =	vst v63  }
0x77: {  	s9 =	sadd.s32 $0x2760, s9  }
0x78: {  	[tilespmem:s25], [sflag:$0x1] =	stream.indirect.gather [hbm4b:s0+s24], $0x80, s9, s24, $0xb8;
	[tilespmem:$0x1F2F8] =	vst v63  }
0x79: {  	_ =	swait.ge [sflag:s31], $0x2800  }
0x7a: {  	[sflag:s31] =	ssyncset.done $0x0  }
0x7b: {  	s9 =	sadd.s32 $0x80, s8;
	[sflag:s31] =	ssyncadd.s32 $0xFFFFD800  }
0x7c: {  	[spmem:s3] =	stream.indirect.scatter.add.f32 [tilespmem:s26], [sflag:$0x5], $0x80, s9, s24, $0xb8;
	[tilespmem:$0x1F2F8] =	vst v63  }
0x7d: {  	_ =	swait.ge [sflag:s29], $0x2800  }
0x7e: {  	[sflag:s29] =	ssyncset.done $0x0  }
0x7f: {  	[sflag:s29] =	ssyncadd.s32 $0xFFFFD800  }
0x80: {  	[spmem:s4] =	stream.indirect.scatter.add.f32 [tilespmem:s21], [sflag:$0x3], $0x1, s9, s24, $0xb8;
	[tilespmem:$0x1F2F8] =	vst v63  }
.Ltmp0:
0x81: {  	_ =	swait.ge [sflag:s1], $0x50;
	(pc) =	sbr.rel @p0 .LBB2_2-.Ltmp0, $4  }
0x82: {  	[sflag:s1] =	ssyncset.done $0x0  }
0x83: {  	[sflag:s1] =	ssyncadd.s32 $0xFFFFFFB0  }
0x84: {  	s10 =	smov.u32 s16;
	_ =	swait.ge [sflag:s1], $0x50  }
0x85: {  	s8 =	sadd.s32 $0x100, s8;
	s9 =	sshra.s32 s12, $0x2;
	[sflag:s1] =	ssyncset.done $0x0  }
0x86: {  	s10 =	sadd.s32 $0x2710, s9;
	[sflag:s1] =	ssyncadd.s32 $0xFFFFFFB0  }
0x87: {  	[tilespmem:s26], [sflag:$0x2] =	stream.indirect.gather [hbm4b:s0+s24], $0x80, s10, s24, $0xb8;
	[tilespmem:$0x1F2F8] =	vst v63  }
0x88: {  	_ =	swait.ge [sflag:s28], $0x2800  }
0x89: {  	[sflag:s28] =	ssyncset.done $0x0  }
0x8a: {  	[sflag:s28] =	ssyncadd.s32 $0xFFFFD800  }
0x8b: {  	[spmem:s3] =	stream.indirect.scatter.add.f32 [tilespmem:s25], [sflag:$0x5], $0x80, s8, s24, $0xb8;
	[tilespmem:$0x1F2F8] =	vst v63  }
0x8c: {  	_ =	swait.ge [sflag:s29], $0x2800  }
0x8d: {  	[sflag:s29] =	ssyncset.done $0x0  }
0x8e: {  	[sflag:s29] =	ssyncadd.s32 $0xFFFFD800  }
0x8f: {  	[spmem:s4] =	stream.indirect.scatter.add.f32 [tilespmem:s21], [sflag:$0x3], $0x1, s8, s24, $0xb8;
	[tilespmem:$0x1F2F8] =	vst v63  }
0x90: {  	s10 =	sadd.s32 $0x2760, s9  }
0x91: {  	[tilespmem:s25], [sflag:$0x1] =	stream.indirect.gather [hbm4b:s0+s24], $0x80, s10, s24, $0xb8;
	[tilespmem:$0x1F2F8] =	vst v63  }
0x92: {  	_ =	swait.ge [sflag:s31], $0x2800  }
0x93: {  	[sflag:s31] =	ssyncset.done $0x0  }
0x94: {  	s11 =	sadd.s32 $0x80, s8;
	[sflag:s31] =	ssyncadd.s32 $0xFFFFD800  }
0x95: {  	[spmem:s3] =	stream.indirect.scatter.add.f32 [tilespmem:s26], [sflag:$0x5], $0x80, s11, s24, $0xb8;
	[tilespmem:$0x1F2F8] =	vst v63  }
0x96: {  	_ =	swait.ge [sflag:s29], $0x2800  }
0x97: {  	[sflag:s29] =	ssyncset.done $0x0  }
0x98: {  	[sflag:s29] =	ssyncadd.s32 $0xFFFFD800  }
0x99: {  	[spmem:s4] =	stream.indirect.scatter.add.f32 [tilespmem:s21], [sflag:$0x3], $0x1, s11, s24, $0xb8;
	[tilespmem:$0x1F2F8] =	vst v63  }
0x9a: {  	_ =	swait.ge [sflag:s1], $0x50  }
0x9b: {  	[sflag:s1] =	ssyncset.done $0x0  }
0x9c: {  	[sflag:s1] =	ssyncadd.s32 $0xFFFFFFB0  }
0x9d: {  	_ =	swait.ge [sflag:s1], $0x50  }
0x9e: {  	[sflag:s1] =	ssyncset.done $0x0  }
0x9f: {  	[sflag:s1] =	ssyncadd.s32 $0xFFFFFFB0  }
0xa0: {  	_ =	swait.ge [sflag:s28], $0x2800  }
0xa1: {  	[sflag:s28] =	ssyncset.done $0x0  }
0xa2: {  	[sflag:s28] =	ssyncadd.s32 $0xFFFFD800  }
0xa3: {  	[spmem:s3] =	stream.indirect.scatter.add.f32 [tilespmem:s25], [sflag:$0x5], $0x80, s30, s24, $0xb8;
	[tilespmem:$0x1F2F8] =	vst v63  }
0xa4: {  	_ =	swait.ge [sflag:s29], $0x2800  }
0xa5: {  	[sflag:s29] =	ssyncset.done $0x0  }
0xa6: {  	[sflag:s29] =	ssyncadd.s32 $0xFFFFD800  }
0xa7: {  	[spmem:s4] =	stream.indirect.scatter.add.f32 [tilespmem:s21], [sflag:$0x3], $0x1, s30, s24, $0xb8;
	[tilespmem:$0x1F2F8] =	vst v63  }
0xa8: {  	_ =	swait.ge [sflag:s1], $0x50  }
0xa9: {  	[sflag:s1] =	ssyncset.done $0x0  }
0xaa: {  	[sflag:s1] =	ssyncadd.s32 $0xFFFFFFB0  }
0xab: {  	_ =	swait.ge [sflag:s1], $0x50  }
0xac: {  	[sflag:s1] =	ssyncset.done $0x0  }
0xad: {  	[sflag:s1] =	ssyncadd.s32 $0xFFFFFFB0  }
0xae: {  	_ =	swait.ge [sflag:s1], $0x50  }
0xaf: {  	[sflag:s1] =	ssyncset.done $0x0  }
0xb0: {  	[sflag:s1] =	ssyncadd.s32 $0xFFFFFFB0  }
0xb1: {  	[bflag:$0x0] =	sbarrier.arrive $0xFFFF  }
0xb2: {  	s8 =	sor.u32 $0x1C05, s13;
	s12 =	rddreg [dreg:$0xb]  }
0xb3: {  	[hbm:s12], [sflag:s8] =	dma.local [spmem:s20], $0x2700  }
0xb4: {  	_ =	swait.ge [sflag:s29], $0x2700  }
0xb5: {  	[sflag:s29] =	ssyncset.done $0x0  }
0xb6: {  	s9 =	sshrl.u32 @!p5 s15, $0x3;
	[sflag:s29] =	ssyncadd.s32 $0xFFFFD900  }
0xb7: {  	[hbm:s17], [sflag:s8] =	dma.local @!p5 [spmem:s9], $0x100  }
0xb8: {  	s9 =	simm.s32 @!p5 $0x5  }
0xb9: {  	_ =	swait.ge @!p5 [sflag:s9], $0x100  }
0xba: {  	[sflag:s9] =	ssyncset.done @!p5 $0x0  }
0xbb: {  	s10 =	rddreg [dreg:$0x7];
	[sflag:s9] =	ssyncadd.s32 @!p5 $0xFFFFFF00;
	s9 =	sshrl.u32 @!p6 s4, $0x3  }
0xbc: {  	[hbm:s10], [sflag:s8] =	dma.local @!p6 [spmem:s9], $0x4F0  }
0xbd: {  	s9 =	simm.s32 @!p6 $0x5  }
0xbe: {  	_ =	swait.ge @!p6 [sflag:s9], $0x4F0  }
0xbf: {  	s16 =	sld [smem:$0x7FB];
	_ =	sdelay $0x2  }
0xc0: {  	p0 =	seq.s32 s16, $0x1  }
0xc1: {  	s7 =	sadd.s32 $0x1, s7;
	p0 =	por !p2, !p0  }
0xc2: {  	[sflag:s9] =	ssyncset.done @!p6 $0x0;
	s10 =	rddreg [dreg:$0x8];
	p0 =	por !p0, !p0  }
0xc3: {  	[sflag:s9] =	ssyncadd.s32 @!p6 $0xFFFFFB10;
	p2 =	sne.s32 s7, s18;
	s9 =	sshrl.u32 @p0 s4, $0x3  }
0xc4: {  	[hbm:s10], [sflag:s8] =	dma.local @p0 [spmem:s9], $0x4F0  }
.Ltmp1:
0xc5: {  	_ = 	snop;
	(pc) =	sbr.rel @p2 .LBB2_1-.Ltmp1, $4  }
0xc6: {  	s8 =	simm.s32 @p0 $0x5  }
0xc7: {  	_ =	swait.ge @p0 [sflag:s8], $0x4F0  }
0xc8: {  	[sflag:s8] =	ssyncset.done @p0 $0x0  }
0xc9: {  	[sflag:s8] =	ssyncadd.s32 @p0 $0xFFFFFB10  }
0xca: {  	_ =	sfence.sel $0x180000  }
0xcb: {  	[bflag:$0x0] =	sbarrier.arrive $0xFFFF  }
0xcc: {  	_ =	strace $0x90000047  }
0xcd: {  	s0 =	stileid.u32;
	[bflag:$0x2] =	sbarrier.arrive $0xFFFF  }
0xce: {  	p0 =	sne.s32 s0, $0x0;
	s0 =	rddreg [dreg:$0x4]  }
0xcf: {  	s0 =	sadd.s32 @!p0 $0x100000, s0  }
0xd0: {  	[sflag:s0] =	ssyncadd.tile.s32 @!p0 $0x1;
	_ =	shalt  }
.Lfunc_end2:
_tile_overlayer_lowered:
.L_overlay_start_2:
0xd1: {  	(tag) =	ssettag $0x2  }
0xd2: {  	s0 =	rddreg [dreg:$0x0];
	s2 =	stileid.u32  }
0xd3: {  	s1 =	rddreg [dreg:$0x1];
	p0 =	sne.s32 s2, $0x0  }
0xd4: {  	s3 =	rddreg [dreg:$0x2];
	[bflag:$0x3] =	sbarrier.arrive $0xFFFF;
	s2 =	simm.s32 @!p0 $0x1C05  }
0xd5: {  	[timem:s3], [sflag:s2] =	dma.local @!p0 [hbm:s0], s1  }
0xd6: {  	s0 =	simm.s32 @!p0 $0x5  }
0xd7: {  	_ =	swait.ge @!p0 [sflag:s0], s1  }
0xd8: {  	s1 =	ssub.s32 @!p0 $0x0, s1;
	[sflag:s0] =	ssyncset.done @!p0 $0x0  }
0xd9: {  	[sflag:s0] =	ssyncadd.s32 @!p0 s1  }
0xda: {  	[bflag:$0x3] =	sbarrier.arrive $0xFFFF  }
0xdb: {  	_ =	shalt  }

</sc_bundles>
